<compile_context>
chip_gen: v7x
topology: tpu7x:2x2x1
jax: 0.10.2.dev20260603
libtpu: 0.0.44.dev20260713+nightly
codegen_flags: <defaults>
</compile_context>

<pallas_src>
import functools

import jax
import jax.numpy as jnp
from jax import lax
from jax.experimental import pallas as pl
from jax.experimental.pallas import tpu as pltpu
from jax.experimental.pallas import tpu_sc as plsc

D = 128
NC = 2
NS = 16
CHUNK = 128
N_PAD = 10240
RPT = N_PAD // NS
BLK = 1024
K0_FRAC = 0.785


def _split(e):
    per_pair = -(-(-(-e // CHUNK)) // NS)
    per_pair += per_pair % 2
    k0 = 2 * int(round(per_pair * K0_FRAC / 2))
    k0 = max(2, min(per_pair, k0))
    k1 = per_pair - k0
    return k0, k1


def _make_sc_pass(k0, k1, with_deg):
    mesh = plsc.VectorSubcoreMesh(core_axis_name="c", subcore_axis_name="s")
    out_type = [jax.ShapeDtypeStruct((NC, N_PAD, D), jnp.float32)]
    scratch = [
        pltpu.VMEM_SHARED((N_PAD, D), jnp.float32),
        pltpu.VMEM((2, 2, CHUNK), jnp.int32),
        pltpu.VMEM((2, CHUNK, D), jnp.float32),
        pltpu.SemaphoreType.DMA,
        pltpu.SemaphoreType.DMA,
        pltpu.SemaphoreType.DMA,
        pltpu.SemaphoreType.DMA,
    ]
    if with_deg:
        out_type.append(jax.ShapeDtypeStruct((NC, N_PAD), jnp.float32))
        scratch.append(pltpu.VMEM_SHARED((N_PAD,), jnp.float32))
        scratch.append(pltpu.VMEM((CHUNK,), jnp.float32))

    def body(*refs):
        if with_deg:
            (table, pki, z2, z1, ones_h,
             acc_out, deg_out, acc_sh, idx_v, rows_v, i0, i1, g0, g1,
             deg_sh, ones_v) = refs
        else:
            (table, pki, z2,
             acc_out, acc_sh, idx_v, rows_v, i0, i1, g0, g1) = refs
        c = lax.axis_index("c")
        s = lax.axis_index("s")
        isems = (i0, i1)
        gsems = (g0, g1)

        pltpu.sync_copy(z2, acc_sh.at[pl.ds(s * RPT, RPT), :])
        if with_deg:
            pltpu.sync_copy(z1, deg_sh.at[pl.ds(s * RPT, RPT)])
            pltpu.sync_copy(ones_h, ones_v)
        plsc.subcore_barrier()

        def run(base, k):
            def fetch_idx(j, b):
                pltpu.async_copy(pki.at[base + j], idx_v.at[b], isems[b])

            def wait_idx(b):
                pltpu.make_async_copy(pki.at[0], idx_v.at[b],
                                      isems[b]).wait()

            def gather(b):
                pltpu.async_copy(table.at[idx_v.at[b, 0]], rows_v.at[b],
                                 gsems[b])

            def wait_gather(b):
                pltpu.make_async_copy(table.at[pl.ds(0, CHUNK), :],
                                      rows_v.at[b], gsems[b]).wait()

            def scatter(b):
                pltpu.sync_copy(rows_v.at[b], acc_sh.at[idx_v.at[b, 1]],
                                add=True)
                if with_deg:
                    pltpu.sync_copy(ones_v, deg_sh.at[idx_v.at[b, 1]],
                                    add=True)

            fetch_idx(0, 0)
            fetch_idx(1, 1)

            def step(kk, carry):
                j0 = 2 * kk
                wait_idx(0)
                gather(0)
                wait_idx(1)
                gather(1)
                wait_gather(0)
                scatter(0)

                @pl.when(kk < k // 2 - 1)
                def _():
                    fetch_idx(j0 + 2, 0)

                wait_gather(1)
                scatter(1)

                @pl.when(kk < k // 2 - 1)
                def _():
                    fetch_idx(j0 + 3, 1)

                return carry

            lax.fori_loop(0, k // 2, step, 0)

        if k0 > 0:
            @pl.when(c == 0)
            def _():
                run(s * k0, k0)
        if k1 > 0:
            @pl.when(c == 1)
            def _():
                run(NS * k0 + s * k1, k1)

        plsc.subcore_barrier()

        pltpu.sync_copy(acc_sh.at[pl.ds(s * RPT, RPT), :],
                        acc_out.at[c, pl.ds(s * RPT, RPT), :])
        if with_deg:
            pltpu.sync_copy(deg_sh.at[pl.ds(s * RPT, RPT)],
                            deg_out.at[c, pl.ds(s * RPT, RPT)])

    return pl.kernel(body, out_type=tuple(out_type), mesh=mesh,
                     scratch_types=tuple(scratch))


def _combine_body(acc_ref, deg_ref, out_ref):
    i = pl.program_id(0)
    a = acc_ref[0] + acc_ref[1]
    d = deg_ref[0, pl.ds(i * BLK, BLK)] + deg_ref[1, pl.ds(i * BLK, BLK)]
    d = jnp.clip(d, 1.0, None)
    out_ref[...] = a / d[:, None]


def _combine(acc, deg):
    return pl.pallas_call(
        _combine_body,
        grid=(N_PAD // BLK,),
        in_specs=[
            pl.BlockSpec((NC, BLK, D), lambda i: (0, i, 0)),
            pl.BlockSpec((NC, N_PAD), lambda i: (0, 0)),
        ],
        out_specs=pl.BlockSpec((BLK, D), lambda i: (i, 0)),
        out_shape=jax.ShapeDtypeStruct((N_PAD, D), jnp.float32),
    )(acc, deg)


def _final_body(x_ref, h1_ref, acc2_ref, deg_ref, wt_ref, b_ref, out_ref):
    i = pl.program_id(0)
    d = deg_ref[0, pl.ds(i * BLK, BLK)] + deg_ref[1, pl.ds(i * BLK, BLK)]
    d = jnp.clip(d, 1.0, None)
    h2 = (acc2_ref[0] + acc2_ref[1]) / d[:, None]
    r = jnp.dot(x_ref[...], wt_ref[pl.ds(0, D), :],
                preferred_element_type=jnp.float32, precision="highest")
    r += jnp.dot(h1_ref[...], wt_ref[pl.ds(D, D), :],
                 preferred_element_type=jnp.float32, precision="highest")
    r += jnp.dot(h2, wt_ref[pl.ds(2 * D, D), :],
                 preferred_element_type=jnp.float32, precision="highest")
    out_ref[...] = r + b_ref[...]


def _final(x_pad, hop1, acc2, deg, wt, b2):
    return pl.pallas_call(
        _final_body,
        grid=(N_PAD // BLK,),
        in_specs=[
            pl.BlockSpec((BLK, D), lambda i: (i, 0)),
            pl.BlockSpec((BLK, D), lambda i: (i, 0)),
            pl.BlockSpec((NC, BLK, D), lambda i: (0, i, 0)),
            pl.BlockSpec((NC, N_PAD), lambda i: (0, 0)),
            pl.BlockSpec((3 * D, D), lambda i: (0, 0)),
            pl.BlockSpec((1, D), lambda i: (0, 0)),
        ],
        out_specs=pl.BlockSpec((BLK, D), lambda i: (i, 0)),
        out_shape=jax.ShapeDtypeStruct((N_PAD, D), jnp.float32),
    )(x_pad, hop1, acc2, deg, wt, b2)


def kernel(x, edge_index, W, b):
    n = x.shape[0]
    e = edge_index.shape[1]
    k0, k1 = _split(e)
    tot = NS * (k0 + k1)
    e_pad = tot * CHUNK

    ei = edge_index.astype(jnp.int32)
    src = jnp.concatenate([ei[0], jnp.zeros((e_pad - e,), jnp.int32)])
    dst = jnp.concatenate([ei[1], jnp.full((e_pad - e,), N_PAD - 1, jnp.int32)])
    pk = jnp.stack([src.reshape(tot, CHUNK), dst.reshape(tot, CHUNK)], axis=1)
    x_pad = jnp.concatenate([x, jnp.zeros((N_PAD - n, D), x.dtype)])
    z2 = jnp.zeros((RPT, D), jnp.float32)
    z1 = jnp.zeros((RPT,), jnp.float32)
    ones_h = jnp.ones((CHUNK,), jnp.float32)
    wt = W.T.astype(jnp.float32)
    b2 = b.reshape(1, D).astype(jnp.float32)

    pass1 = _make_sc_pass(k0, k1, with_deg=True)
    pass2 = _make_sc_pass(k0, k1, with_deg=False)

    acc1, deg = pass1(x_pad, pk, z2, z1, ones_h)
    hop1 = _combine(acc1, deg)
    (acc2,) = pass2(hop1, pk, z2)
    out_pad = _final(x_pad, hop1, acc2, deg, wt, b2)
    return out_pad[:n]

# --- scband reference (transcript-rebuilt; emitter-appended) ---
"""Pipeline reference for scband-h2-gcnconv-936302871073 (READ-ONLY COPY).

The authoritative reference and input builder live on the scoring server;
editing this copy changes nothing except your own understanding.
"""

import jax, jax.numpy as jnp
import numpy as np

N_NODES = 10000
N_EDGES = 320000
D_IN = 128
D_OUT = 128


def mean_propagate(x, edge_index, num_nodes):
    src = edge_index[0]
    dst = edge_index[1]
    msgs = jnp.take(x, src, axis=0)
    agg = jax.ops.segment_sum(msgs, dst, num_segments=num_nodes)
    deg = jax.ops.segment_sum(jnp.ones((src.shape[0],), dtype=x.dtype), dst, num_segments=num_nodes)
    deg = jnp.clip(deg, 1.0, None)
    return agg / deg[:, None]


def setup_inputs(seed: int = 0) -> dict:
    key = jax.random.key(seed)
    k1, k2, k3, k4 = jax.random.split(key, 4)
    x = jax.random.normal(k1, (N_NODES, D_IN), dtype=jnp.float32)
    edge_index = jax.random.randint(k2, (2, N_EDGES), 0, N_NODES, dtype=jnp.int64)
    # nn.Linear(in_channels*3, out_channels): weight [out, 3*in], bias [out]
    bound = 1.0 / np.sqrt(3 * D_IN)
    W = jax.random.uniform(k3, (D_OUT, 3 * D_IN), minval=-bound, maxval=bound, dtype=jnp.float32)
    b = jax.random.uniform(k4, (D_OUT,), minval=-bound, maxval=bound, dtype=jnp.float32)
    return {"x": x, "edge_index": edge_index, "W": W, "b": b}


def reference(x, edge_index, W, b):
    hop1 = mean_propagate(x, edge_index, N_NODES)
    hop2 = mean_propagate(hop1, edge_index, N_NODES)
    cat = jnp.concatenate([x, hop1, hop2], axis=-1)
    return cat @ W.T + b

if __name__ == "__main__":
    import jax
    _d = setup_inputs()
    print(jax.jit(kernel)(*tuple(_d.values())))

</pallas_src>

<mosaic_0001>
#map = affine_map<(d0, d1) -> (0, 0)>
#map1 = affine_map<(d0, d1) -> (0, 0, 0)>
#map2 = affine_map<(d0, d1) -> (0)>
module attributes {stable_mosaic.version = 14 : i64} {
  func.func @body(%arg0: i32, %arg1: i32, %arg2: memref<10240x128xf32, #tpu.memory_space<hbm>>, %arg3: memref<2528x2x128xi32, #tpu.memory_space<hbm>>, %arg4: memref<640x128xf32, #tpu.memory_space<hbm>>, %arg5: memref<640xf32, #tpu.memory_space<hbm>>, %arg6: memref<128xf32, #tpu.memory_space<hbm>>, %arg7: memref<2x10240x128xf32, #tpu.memory_space<hbm>>, %arg8: memref<2x10240xf32, #tpu.memory_space<hbm>>, %arg9: memref<10240x128xf32, #tpu.memory_space<vmem_shared>>, %arg10: memref<2x2x128xi32, #tpu.memory_space<vmem>>, %arg11: memref<2x128x128xf32, #tpu.memory_space<vmem>>, %arg12: memref<!tpu.dma_semaphore, #tpu.memory_space<semaphore_mem>>, %arg13: memref<!tpu.dma_semaphore, #tpu.memory_space<semaphore_mem>>, %arg14: memref<!tpu.dma_semaphore, #tpu.memory_space<semaphore_mem>>, %arg15: memref<!tpu.dma_semaphore, #tpu.memory_space<semaphore_mem>>, %arg16: memref<10240xf32, #tpu.memory_space<vmem_shared>>, %arg17: memref<128xf32, #tpu.memory_space<vmem>>) attributes {dimension_semantics = [#tpu.dimension_semantics<core_parallel>, #tpu.dimension_semantics<subcore_parallel>], iteration_bounds = array<i64: 2, 16>, scalar_prefetch = 0 : i64, scratch_operands = 9 : i64, tpu.core_type = #tpu.core_type<sc_vector_subcore>, window_params = [{transform_indices = #map}, {transform_indices = #map1}, {transform_indices = #map}, {transform_indices = #map2}, {transform_indices = #map2}, {transform_indices = #map1}, {transform_indices = #map}]} {
    %mul3A = arith.constant 640 : i32
    %mul3A_0 = arith.muli %arg1, %mul3A : i32
    "tpu.region"() ({
      %run_scoped3A = tpu.sem_alloc : memref<!tpu.dma_semaphore, #tpu.memory_space<semaphore_mem>>
      %dma_start3A = arith.constant 0 : i32
      %dma_start3A_19 = tpu.memref_slice %arg9[%mul3A_0, %dma_start3A] : memref<10240x128xf32, #tpu.memory_space<vmem_shared>> -> memref<640x128xf32, #tpu.memory_space<vmem_shared>>
      tpu.enqueue_dma source(%arg4 : memref<640x128xf32, #tpu.memory_space<hbm>>) target(%dma_start3A_19 : memref<640x128xf32, #tpu.memory_space<vmem_shared>>) target_semaphore(%run_scoped3A : memref<!tpu.dma_semaphore, #tpu.memory_space<semaphore_mem>>)
      %dma_wait3A = arith.constant 0 : i32
      %dma_wait3A_20 = tpu.memref_slice %arg9[%mul3A_0, %dma_wait3A] : memref<10240x128xf32, #tpu.memory_space<vmem_shared>> -> memref<640x128xf32, #tpu.memory_space<vmem_shared>>
      tpu.wait_dma2 semaphore(%run_scoped3A : memref<!tpu.dma_semaphore, #tpu.memory_space<semaphore_mem>>) src(%arg4 : memref<640x128xf32, #tpu.memory_space<hbm>>) dst(%dma_wait3A_20 : memref<640x128xf32, #tpu.memory_space<vmem_shared>>)
      tpu.yield
    }) : () -> ()
    %mul3A_1 = arith.constant 640 : i32
    %mul3A_2 = arith.muli %arg1, %mul3A_1 : i32
    "tpu.region"() ({
      %run_scoped3A = tpu.sem_alloc : memref<!tpu.dma_semaphore, #tpu.memory_space<semaphore_mem>>
      %dma_start3A = tpu.memref_slice %arg16[%mul3A_2] : memref<10240xf32, #tpu.memory_space<vmem_shared>> -> memref<640xf32, #tpu.memory_space<vmem_shared>>
      tpu.enqueue_dma source(%arg5 : memref<640xf32, #tpu.memory_space<hbm>>) target(%dma_start3A : memref<640xf32, #tpu.memory_space<vmem_shared>>) target_semaphore(%run_scoped3A : memref<!tpu.dma_semaphore, #tpu.memory_space<semaphore_mem>>)
      %dma_wait3A = tpu.memref_slice %arg16[%mul3A_2] : memref<10240xf32, #tpu.memory_space<vmem_shared>> -> memref<640xf32, #tpu.memory_space<vmem_shared>>
      tpu.wait_dma2 semaphore(%run_scoped3A : memref<!tpu.dma_semaphore, #tpu.memory_space<semaphore_mem>>) src(%arg5 : memref<640xf32, #tpu.memory_space<hbm>>) dst(%dma_wait3A : memref<640xf32, #tpu.memory_space<vmem_shared>>)
      tpu.yield
    }) : () -> ()
    "tpu.region"() ({
      %run_scoped3A = tpu.sem_alloc : memref<!tpu.dma_semaphore, #tpu.memory_space<semaphore_mem>>
      tpu.enqueue_dma source(%arg6 : memref<128xf32, #tpu.memory_space<hbm>>) target(%arg17 : memref<128xf32, #tpu.memory_space<vmem>>) target_semaphore(%run_scoped3A : memref<!tpu.dma_semaphore, #tpu.memory_space<semaphore_mem>>)
      tpu.wait_dma2 semaphore(%run_scoped3A : memref<!tpu.dma_semaphore, #tpu.memory_space<semaphore_mem>>) src(%arg6 : memref<128xf32, #tpu.memory_space<hbm>>) dst(%arg17 : memref<128xf32, #tpu.memory_space<vmem>>)
      tpu.yield
    }) : () -> ()
    %barrier3A = arith.constant 0 : index
    tpu.barrier barrier_id(%barrier3A)
    %eq3A = arith.constant 0 : i32
    %eq3A_3 = arith.cmpi eq, %arg0, %eq3A : i32
    %convert_element_type3A = arith.extui %eq3A_3 : i1 to i32
    %cond3A = arith.constant 0 : i32
    %cond3A_4 = arith.cmpi ne, %convert_element_type3A, %cond3A : i32
    scf.if %cond3A_4 {
      %mul3A_19 = arith.constant 124 : i32
      %mul3A_20 = arith.muli %arg1, %mul3A_19 : i32
      %add3A = arith.constant 0 : i32
      %add3A_21 = arith.addi %mul3A_20, %add3A : i32
      %dma_start3A = arith.constant 0 : i32
      %dma_start3A_22 = arith.constant 0 : i32
      %dma_start3A_23 = arith.constant 0 : i32
      %dma_start3A_24 = tpu.memref_slice %arg10[%dma_start3A, %dma_start3A_22, %dma_start3A_23] : memref<2x2x128xi32, #tpu.memory_space<vmem>> -> memref<1x2x128xi32, #tpu.memory_space<vmem>>
      %dma_start3A_25 = tpu.memref_squeeze %dma_start3A_24 : memref<1x2x128xi32, #tpu.memory_space<vmem>> -> memref<2x128xi32, #tpu.memory_space<vmem>>
      %dma_start3A_26 = arith.constant 0 : i32
      %dma_start3A_27 = arith.constant 0 : i32
      %dma_start3A_28 = tpu.memref_slice %arg3[%add3A_21, %dma_start3A_26, %dma_start3A_27] : memref<2528x2x128xi32, #tpu.memory_space<hbm>> -> memref<1x2x128xi32, #tpu.memory_space<hbm>>
      %dma_start3A_29 = tpu.memref_squeeze %dma_start3A_28 : memref<1x2x128xi32, #tpu.memory_space<hbm>> -> memref<2x128xi32, #tpu.memory_space<hbm>>
      %dma_start3A_30 = arith.constant 0 : i32
      %dma_start3A_31 = arith.constant 0 : i32
      %dma_start3A_32 = tpu.memref_slice %arg10[%dma_start3A, %dma_start3A_30, %dma_start3A_31] : memref<2x2x128xi32, #tpu.memory_space<vmem>> -> memref<1x2x128xi32, #tpu.memory_space<vmem>>
      %dma_start3A_33 = tpu.memref_squeeze %dma_start3A_32 : memref<1x2x128xi32, #tpu.memory_space<vmem>> -> memref<2x128xi32, #tpu.memory_space<vmem>>
      %dma_start3A_34 = arith.constant 0 : i32
      %dma_start3A_35 = arith.constant 0 : i32
      %dma_start3A_36 = tpu.memref_slice %arg3[%add3A_21, %dma_start3A_34, %dma_start3A_35] : memref<2528x2x128xi32, #tpu.memory_space<hbm>> -> memref<1x2x128xi32, #tpu.memory_space<hbm>>
      %dma_start3A_37 = tpu.memref_squeeze %dma_start3A_36 : memref<1x2x128xi32, #tpu.memory_space<hbm>> -> memref<2x128xi32, #tpu.memory_space<hbm>>
      tpu.enqueue_dma source(%dma_start3A_37 : memref<2x128xi32, #tpu.memory_space<hbm>>) target(%dma_start3A_33 : memref<2x128xi32, #tpu.memory_space<vmem>>) target_semaphore(%arg12 : memref<!tpu.dma_semaphore, #tpu.memory_space<semaphore_mem>>)
      %add3A_38 = arith.constant 1 : i32
      %add3A_39 = arith.addi %mul3A_20, %add3A_38 : i32
      %dma_start3A_40 = arith.constant 1 : i32
      %dma_start3A_41 = arith.constant 0 : i32
      %dma_start3A_42 = arith.constant 0 : i32
      %dma_start3A_43 = tpu.memref_slice %arg10[%dma_start3A_40, %dma_start3A_41, %dma_start3A_42] : memref<2x2x128xi32, #tpu.memory_space<vmem>> -> memref<1x2x128xi32, #tpu.memory_space<vmem>>
      %dma_start3A_44 = tpu.memref_squeeze %dma_start3A_43 : memref<1x2x128xi32, #tpu.memory_space<vmem>> -> memref<2x128xi32, #tpu.memory_space<vmem>>
      %dma_start3A_45 = arith.constant 0 : i32
      %dma_start3A_46 = arith.constant 0 : i32
      %dma_start3A_47 = tpu.memref_slice %arg3[%add3A_39, %dma_start3A_45, %dma_start3A_46] : memref<2528x2x128xi32, #tpu.memory_space<hbm>> -> memref<1x2x128xi32, #tpu.memory_space<hbm>>
      %dma_start3A_48 = tpu.memref_squeeze %dma_start3A_47 : memref<1x2x128xi32, #tpu.memory_space<hbm>> -> memref<2x128xi32, #tpu.memory_space<hbm>>
      %dma_start3A_49 = arith.constant 0 : i32
      %dma_start3A_50 = arith.constant 0 : i32
      %dma_start3A_51 = tpu.memref_slice %arg10[%dma_start3A_40, %dma_start3A_49, %dma_start3A_50] : memref<2x2x128xi32, #tpu.memory_space<vmem>> -> memref<1x2x128xi32, #tpu.memory_space<vmem>>
      %dma_start3A_52 = tpu.memref_squeeze %dma_start3A_51 : memref<1x2x128xi32, #tpu.memory_space<vmem>> -> memref<2x128xi32, #tpu.memory_space<vmem>>
      %dma_start3A_53 = arith.constant 0 : i32
      %dma_start3A_54 = arith.constant 0 : i32
      %dma_start3A_55 = tpu.memref_slice %arg3[%add3A_39, %dma_start3A_53, %dma_start3A_54] : memref<2528x2x128xi32, #tpu.memory_space<hbm>> -> memref<1x2x128xi32, #tpu.memory_space<hbm>>
      %dma_start3A_56 = tpu.memref_squeeze %dma_start3A_55 : memref<1x2x128xi32, #tpu.memory_space<hbm>> -> memref<2x128xi32, #tpu.memory_space<hbm>>
      tpu.enqueue_dma source(%dma_start3A_56 : memref<2x128xi32, #tpu.memory_space<hbm>>) target(%dma_start3A_52 : memref<2x128xi32, #tpu.memory_space<vmem>>) target_semaphore(%arg13 : memref<!tpu.dma_semaphore, #tpu.memory_space<semaphore_mem>>)
      %scan3A = arith.constant 0 : i32
      %scan3A_57 = arith.constant 0 : i32
      %scan3A_58 = arith.constant 62 : i32
      %scan3A_59 = arith.addi %scan3A_57, %scan3A_58 : i32
      %scan3A_60 = arith.constant 1 : i32
      scf.for %scan3A_62 = %scan3A_57 to %scan3A_59 step %scan3A_60  : i32 {
        %mul3A_63 = arith.constant 2 : i32
        %mul3A_64 = arith.muli %mul3A_63, %scan3A_62 : i32
        %dma_wait3A = arith.constant 0 : i32
        %dma_wait3A_65 = arith.constant 0 : i32
        %dma_wait3A_66 = arith.constant 0 : i32
        %dma_wait3A_67 = arith.constant 0 : i32
        %dma_wait3A_68 = tpu.memref_slice %arg10[%dma_wait3A_65, %dma_wait3A_66, %dma_wait3A_67] : memref<2x2x128xi32, #tpu.memory_space<vmem>> -> memref<1x2x128xi32, #tpu.memory_space<vmem>>
        %dma_wait3A_69 = tpu.memref_squeeze %dma_wait3A_68 : memref<1x2x128xi32, #tpu.memory_space<vmem>> -> memref<2x128xi32, #tpu.memory_space<vmem>>
        %dma_wait3A_70 = arith.constant 0 : i32
        %dma_wait3A_71 = arith.constant 0 : i32
        %dma_wait3A_72 = tpu.memref_slice %arg3[%dma_wait3A, %dma_wait3A_70, %dma_wait3A_71] : memref<2528x2x128xi32, #tpu.memory_space<hbm>> -> memref<1x2x128xi32, #tpu.memory_space<hbm>>
        %dma_wait3A_73 = tpu.memref_squeeze %dma_wait3A_72 : memref<1x2x128xi32, #tpu.memory_space<hbm>> -> memref<2x128xi32, #tpu.memory_space<hbm>>
        %dma_wait3A_74 = arith.constant 0 : i32
        %dma_wait3A_75 = arith.constant 0 : i32
        %dma_wait3A_76 = tpu.memref_slice %arg10[%dma_wait3A_65, %dma_wait3A_74, %dma_wait3A_75] : memref<2x2x128xi32, #tpu.memory_space<vmem>> -> memref<1x2x128xi32, #tpu.memory_space<vmem>>
        %dma_wait3A_77 = tpu.memref_squeeze %dma_wait3A_76 : memref<1x2x128xi32, #tpu.memory_space<vmem>> -> memref<2x128xi32, #tpu.memory_space<vmem>>
        %dma_wait3A_78 = arith.constant 0 : i32
        %dma_wait3A_79 = arith.constant 0 : i32
        %dma_wait3A_80 = tpu.memref_slice %arg3[%dma_wait3A, %dma_wait3A_78, %dma_wait3A_79] : memref<2528x2x128xi32, #tpu.memory_space<hbm>> -> memref<1x2x128xi32, #tpu.memory_space<hbm>>
        %dma_wait3A_81 = tpu.memref_squeeze %dma_wait3A_80 : memref<1x2x128xi32, #tpu.memory_space<hbm>> -> memref<2x128xi32, #tpu.memory_space<hbm>>
        tpu.wait_dma2 semaphore(%arg12 : memref<!tpu.dma_semaphore, #tpu.memory_space<semaphore_mem>>) src(%dma_wait3A_81 : memref<2x128xi32, #tpu.memory_space<hbm>>) dst(%dma_wait3A_77 : memref<2x128xi32, #tpu.memory_space<vmem>>)
        %dma_start3A_82 = arith.constant 0 : i32
        %dma_start3A_83 = arith.constant 0 : i32
        %dma_start3A_84 = arith.constant 0 : i32
        %dma_start3A_85 = arith.constant 0 : i32
        %dma_start3A_86 = arith.constant 0 : i32
        %dma_start3A_87 = tpu.memref_slice %arg11[%dma_start3A_84, %dma_start3A_85, %dma_start3A_86] : memref<2x128x128xf32, #tpu.memory_space<vmem>> -> memref<1x128x128xf32, #tpu.memory_space<vmem>>
        %dma_start3A_88 = tpu.memref_squeeze %dma_start3A_87 : memref<1x128x128xf32, #tpu.memory_space<vmem>> -> memref<128x128xf32, #tpu.memory_space<vmem>>
        %dma_start3A_89 = arith.constant 0 : i32
        %dma_start3A_90 = tpu.memref_slice %arg10[%dma_start3A_82, %dma_start3A_83, %dma_start3A_89] : memref<2x2x128xi32, #tpu.memory_space<vmem>> -> memref<1x1x128xi32, #tpu.memory_space<vmem>>
        %dma_start3A_91 = tpu.memref_squeeze %dma_start3A_90 : memref<1x1x128xi32, #tpu.memory_space<vmem>> -> memref<128xi32, #tpu.memory_space<vmem>>
        %dma_start3A_92 = arith.constant 0 : i32
        %dma_start3A_93 = arith.constant 0 : i32
        %dma_start3A_94 = tpu.memref_slice %arg2[%dma_start3A_92, %dma_start3A_93] : memref<10240x128xf32, #tpu.memory_space<hbm>> -> memref<10240x128xf32, #tpu.memory_space<hbm>>
        tpu.enqueue_indirect_dma source(%dma_start3A_94 : memref<10240x128xf32, #tpu.memory_space<hbm>>) target(%dma_start3A_88 : memref<128x128xf32, #tpu.memory_space<vmem>>) offsets(%dma_start3A_91 : memref<128xi32, #tpu.memory_space<vmem>>) semaphore(%arg14 : memref<!tpu.dma_semaphore, #tpu.memory_space<semaphore_mem>>)
        %dma_wait3A_95 = arith.constant 0 : i32
        %dma_wait3A_96 = arith.constant 1 : i32
        %dma_wait3A_97 = arith.constant 0 : i32
        %dma_wait3A_98 = arith.constant 0 : i32
        %dma_wait3A_99 = tpu.memref_slice %arg10[%dma_wait3A_96, %dma_wait3A_97, %dma_wait3A_98] : memref<2x2x128xi32, #tpu.memory_space<vmem>> -> memref<1x2x128xi32, #tpu.memory_space<vmem>>
        %dma_wait3A_100 = tpu.memref_squeeze %dma_wait3A_99 : memref<1x2x128xi32, #tpu.memory_space<vmem>> -> memref<2x128xi32, #tpu.memory_space<vmem>>
        %dma_wait3A_101 = arith.constant 0 : i32
        %dma_wait3A_102 = arith.constant 0 : i32
        %dma_wait3A_103 = tpu.memref_slice %arg3[%dma_wait3A_95, %dma_wait3A_101, %dma_wait3A_102] : memref<2528x2x128xi32, #tpu.memory_space<hbm>> -> memref<1x2x128xi32, #tpu.memory_space<hbm>>
        %dma_wait3A_104 = tpu.memref_squeeze %dma_wait3A_103 : memref<1x2x128xi32, #tpu.memory_space<hbm>> -> memref<2x128xi32, #tpu.memory_space<hbm>>
        %dma_wait3A_105 = arith.constant 0 : i32
        %dma_wait3A_106 = arith.constant 0 : i32
        %dma_wait3A_107 = tpu.memref_slice %arg10[%dma_wait3A_96, %dma_wait3A_105, %dma_wait3A_106] : memref<2x2x128xi32, #tpu.memory_space<vmem>> -> memref<1x2x128xi32, #tpu.memory_space<vmem>>
        %dma_wait3A_108 = tpu.memref_squeeze %dma_wait3A_107 : memref<1x2x128xi32, #tpu.memory_space<vmem>> -> memref<2x128xi32, #tpu.memory_space<vmem>>
        %dma_wait3A_109 = arith.constant 0 : i32
        %dma_wait3A_110 = arith.constant 0 : i32
        %dma_wait3A_111 = tpu.memref_slice %arg3[%dma_wait3A_95, %dma_wait3A_109, %dma_wait3A_110] : memref<2528x2x128xi32, #tpu.memory_space<hbm>> -> memref<1x2x128xi32, #tpu.memory_space<hbm>>
        %dma_wait3A_112 = tpu.memref_squeeze %dma_wait3A_111 : memref<1x2x128xi32, #tpu.memory_space<hbm>> -> memref<2x128xi32, #tpu.memory_space<hbm>>
        tpu.wait_dma2 semaphore(%arg13 : memref<!tpu.dma_semaphore, #tpu.memory_space<semaphore_mem>>) src(%dma_wait3A_112 : memref<2x128xi32, #tpu.memory_space<hbm>>) dst(%dma_wait3A_108 : memref<2x128xi32, #tpu.memory_space<vmem>>)
        %dma_start3A_113 = arith.constant 1 : i32
        %dma_start3A_114 = arith.constant 0 : i32
        %dma_start3A_115 = arith.constant 1 : i32
        %dma_start3A_116 = arith.constant 0 : i32
        %dma_start3A_117 = arith.constant 0 : i32
        %dma_start3A_118 = tpu.memref_slice %arg11[%dma_start3A_115, %dma_start3A_116, %dma_start3A_117] : memref<2x128x128xf32, #tpu.memory_space<vmem>> -> memref<1x128x128xf32, #tpu.memory_space<vmem>>
        %dma_start3A_119 = tpu.memref_squeeze %dma_start3A_118 : memref<1x128x128xf32, #tpu.memory_space<vmem>> -> memref<128x128xf32, #tpu.memory_space<vmem>>
        %dma_start3A_120 = arith.constant 0 : i32
        %dma_start3A_121 = tpu.memref_slice %arg10[%dma_start3A_113, %dma_start3A_114, %dma_start3A_120] : memref<2x2x128xi32, #tpu.memory_space<vmem>> -> memref<1x1x128xi32, #tpu.memory_space<vmem>>
        %dma_start3A_122 = tpu.memref_squeeze %dma_start3A_121 : memref<1x1x128xi32, #tpu.memory_space<vmem>> -> memref<128xi32, #tpu.memory_space<vmem>>
        %dma_start3A_123 = arith.constant 0 : i32
        %dma_start3A_124 = arith.constant 0 : i32
        %dma_start3A_125 = tpu.memref_slice %arg2[%dma_start3A_123, %dma_start3A_124] : memref<10240x128xf32, #tpu.memory_space<hbm>> -> memref<10240x128xf32, #tpu.memory_space<hbm>>
        tpu.enqueue_indirect_dma source(%dma_start3A_125 : memref<10240x128xf32, #tpu.memory_space<hbm>>) target(%dma_start3A_119 : memref<128x128xf32, #tpu.memory_space<vmem>>) offsets(%dma_start3A_122 : memref<128xi32, #tpu.memory_space<vmem>>) semaphore(%arg15 : memref<!tpu.dma_semaphore, #tpu.memory_space<semaphore_mem>>)
        %dma_wait3A_126 = arith.constant 0 : i32
        %dma_wait3A_127 = arith.constant 0 : i32
        %dma_wait3A_128 = arith.constant 0 : i32
        %dma_wait3A_129 = tpu.memref_slice %arg11[%dma_wait3A_126, %dma_wait3A_127, %dma_wait3A_128] : memref<2x128x128xf32, #tpu.memory_space<vmem>> -> memref<1x128x128xf32, #tpu.memory_space<vmem>>
        %dma_wait3A_130 = tpu.memref_squeeze %dma_wait3A_129 : memref<1x128x128xf32, #tpu.memory_space<vmem>> -> memref<128x128xf32, #tpu.memory_space<vmem>>
        %dma_wait3A_131 = arith.constant 0 : i32
        %dma_wait3A_132 = arith.constant 0 : i32
        %dma_wait3A_133 = tpu.memref_slice %arg2[%dma_wait3A_131, %dma_wait3A_132] : memref<10240x128xf32, #tpu.memory_space<hbm>> -> memref<128x128xf32, #tpu.memory_space<hbm>>
        %dma_wait3A_134 = arith.constant 0 : i32
        %dma_wait3A_135 = arith.constant 0 : i32
        %dma_wait3A_136 = tpu.memref_slice %arg11[%dma_wait3A_126, %dma_wait3A_134, %dma_wait3A_135] : memref<2x128x128xf32, #tpu.memory_space<vmem>> -> memref<1x128x128xf32, #tpu.memory_space<vmem>>
        %dma_wait3A_137 = tpu.memref_squeeze %dma_wait3A_136 : memref<1x128x128xf32, #tpu.memory_space<vmem>> -> memref<128x128xf32, #tpu.memory_space<vmem>>
        %dma_wait3A_138 = arith.constant 0 : i32
        %dma_wait3A_139 = arith.constant 0 : i32
        %dma_wait3A_140 = tpu.memref_slice %arg2[%dma_wait3A_138, %dma_wait3A_139] : memref<10240x128xf32, #tpu.memory_space<hbm>> -> memref<128x128xf32, #tpu.memory_space<hbm>>
        tpu.wait_dma2 semaphore(%arg14 : memref<!tpu.dma_semaphore, #tpu.memory_space<semaphore_mem>>) src(%dma_wait3A_140 : memref<128x128xf32, #tpu.memory_space<hbm>>) dst(%dma_wait3A_137 : memref<128x128xf32, #tpu.memory_space<vmem>>)
        %run_scoped3A = arith.constant 0 : i32
        %run_scoped3A_141 = arith.constant 0 : i32
        %run_scoped3A_142 = arith.constant 1 : i32
        "tpu.region"() ({
          %run_scoped3A_174 = tpu.sem_alloc : memref<!tpu.dma_semaphore, #tpu.memory_space<semaphore_mem>>
          %dma_start3A_175 = arith.constant 0 : i32
          %dma_start3A_176 = arith.constant 0 : i32
          %dma_start3A_177 = tpu.memref_slice %arg11[%run_scoped3A, %dma_start3A_175, %dma_start3A_176] : memref<2x128x128xf32, #tpu.memory_space<vmem>> -> memref<1x128x128xf32, #tpu.memory_space<vmem>>
          %dma_start3A_178 = tpu.memref_squeeze %dma_start3A_177 : memref<1x128x128xf32, #tpu.memory_space<vmem>> -> memref<128x128xf32, #tpu.memory_space<vmem>>
          %dma_start3A_179 = arith.constant 0 : i32
          %dma_start3A_180 = tpu.memref_slice %arg10[%run_scoped3A_141, %run_scoped3A_142, %dma_start3A_179] : memref<2x2x128xi32, #tpu.memory_space<vmem>> -> memref<1x1x128xi32, #tpu.memory_space<vmem>>
          %dma_start3A_181 = tpu.memref_squeeze %dma_start3A_180 : memref<1x1x128xi32, #tpu.memory_space<vmem>> -> memref<128xi32, #tpu.memory_space<vmem>>
          %dma_start3A_182 = arith.constant 0 : i32
          %dma_start3A_183 = arith.constant 0 : i32
          %dma_start3A_184 = tpu.memref_slice %arg9[%dma_start3A_182, %dma_start3A_183] : memref<10240x128xf32, #tpu.memory_space<vmem_shared>> -> memref<10240x128xf32, #tpu.memory_space<vmem_shared>>
          tpu.enqueue_indirect_dma source(%dma_start3A_178 : memref<128x128xf32, #tpu.memory_space<vmem>>) target(%dma_start3A_184 : memref<10240x128xf32, #tpu.memory_space<vmem_shared>>) offsets(%dma_start3A_181 : memref<128xi32, #tpu.memory_space<vmem>>) semaphore(%run_scoped3A_174 : memref<!tpu.dma_semaphore, #tpu.memory_space<semaphore_mem>>) {add = true}
          %dma_wait3A_185 = arith.constant 0 : i32
          %dma_wait3A_186 = arith.constant 0 : i32
          %dma_wait3A_187 = tpu.memref_slice %arg11[%run_scoped3A, %dma_wait3A_185, %dma_wait3A_186] : memref<2x128x128xf32, #tpu.memory_space<vmem>> -> memref<1x128x128xf32, #tpu.memory_space<vmem>>
          %dma_wait3A_188 = tpu.memref_squeeze %dma_wait3A_187 : memref<1x128x128xf32, #tpu.memory_space<vmem>> -> memref<128x128xf32, #tpu.memory_space<vmem>>
          %dma_wait3A_189 = arith.constant 0 : i32
          %dma_wait3A_190 = tpu.memref_slice %arg10[%run_scoped3A_141, %run_scoped3A_142, %dma_wait3A_189] : memref<2x2x128xi32, #tpu.memory_space<vmem>> -> memref<1x1x128xi32, #tpu.memory_space<vmem>>
          %dma_wait3A_191 = tpu.memref_squeeze %dma_wait3A_190 : memref<1x1x128xi32, #tpu.memory_space<vmem>> -> memref<128xi32, #tpu.memory_space<vmem>>
          %dma_wait3A_192 = arith.constant 0 : i32
          %dma_wait3A_193 = arith.constant 0 : i32
          %dma_wait3A_194 = tpu.memref_slice %arg9[%dma_wait3A_192, %dma_wait3A_193] : memref<10240x128xf32, #tpu.memory_space<vmem_shared>> -> memref<10240x128xf32, #tpu.memory_space<vmem_shared>>
          tpu.wait_indirect_dma semaphore(%run_scoped3A_174 : memref<!tpu.dma_semaphore, #tpu.memory_space<semaphore_mem>>) src(%dma_wait3A_188 : memref<128x128xf32, #tpu.memory_space<vmem>>) dst(%dma_wait3A_194 : memref<10240x128xf32, #tpu.memory_space<vmem_shared>>)
          tpu.yield
        }) : () -> ()
        %run_scoped3A_143 = arith.constant 0 : i32
        %run_scoped3A_144 = arith.constant 1 : i32
        "tpu.region"() ({
          %run_scoped3A_174 = tpu.sem_alloc : memref<!tpu.dma_semaphore, #tpu.memory_space<semaphore_mem>>
          %dma_start3A_175 = arith.constant 0 : i32
          %dma_start3A_176 = tpu.memref_slice %arg10[%run_scoped3A_143, %run_scoped3A_144, %dma_start3A_175] : memref<2x2x128xi32, #tpu.memory_space<vmem>> -> memref<1x1x128xi32, #tpu.memory_space<vmem>>
          %dma_start3A_177 = tpu.memref_squeeze %dma_start3A_176 : memref<1x1x128xi32, #tpu.memory_space<vmem>> -> memref<128xi32, #tpu.memory_space<vmem>>
          %dma_start3A_178 = arith.constant 0 : i32
          %dma_start3A_179 = tpu.memref_slice %arg16[%dma_start3A_178] : memref<10240xf32, #tpu.memory_space<vmem_shared>> -> memref<10240xf32, #tpu.memory_space<vmem_shared>>
          tpu.enqueue_indirect_dma source(%arg17 : memref<128xf32, #tpu.memory_space<vmem>>) target(%dma_start3A_179 : memref<10240xf32, #tpu.memory_space<vmem_shared>>) offsets(%dma_start3A_177 : memref<128xi32, #tpu.memory_space<vmem>>) semaphore(%run_scoped3A_174 : memref<!tpu.dma_semaphore, #tpu.memory_space<semaphore_mem>>) {add = true}
          %dma_wait3A_180 = arith.constant 0 : i32
          %dma_wait3A_181 = tpu.memref_slice %arg10[%run_scoped3A_143, %run_scoped3A_144, %dma_wait3A_180] : memref<2x2x128xi32, #tpu.memory_space<vmem>> -> memref<1x1x128xi32, #tpu.memory_space<vmem>>
          %dma_wait3A_182 = tpu.memref_squeeze %dma_wait3A_181 : memref<1x1x128xi32, #tpu.memory_space<vmem>> -> memref<128xi32, #tpu.memory_space<vmem>>
          %dma_wait3A_183 = arith.constant 0 : i32
          %dma_wait3A_184 = tpu.memref_slice %arg16[%dma_wait3A_183] : memref<10240xf32, #tpu.memory_space<vmem_shared>> -> memref<10240xf32, #tpu.memory_space<vmem_shared>>
          tpu.wait_indirect_dma semaphore(%run_scoped3A_174 : memref<!tpu.dma_semaphore, #tpu.memory_space<semaphore_mem>>) src(%arg17 : memref<128xf32, #tpu.memory_space<vmem>>) dst(%dma_wait3A_184 : memref<10240xf32, #tpu.memory_space<vmem_shared>>)
          tpu.yield
        }) : () -> ()
        %lt3A = arith.constant 61 : i32
        %lt3A_145 = arith.cmpi slt, %scan3A_62, %lt3A : i32
        %convert_element_type3A_146 = arith.extui %lt3A_145 : i1 to i32
        %cond3A_147 = arith.constant 0 : i32
        %cond3A_148 = arith.cmpi ne, %convert_element_type3A_146, %cond3A_147 : i32
        scf.if %cond3A_148 {
          %add3A_174 = arith.constant 2 : i32
          %add3A_175 = arith.addi %mul3A_64, %add3A_174 : i32
          %add3A_176 = arith.addi %mul3A_20, %add3A_175 : i32
          %dma_start3A_177 = arith.constant 0 : i32
          %dma_start3A_178 = arith.constant 0 : i32
          %dma_start3A_179 = arith.constant 0 : i32
          %dma_start3A_180 = tpu.memref_slice %arg10[%dma_start3A_177, %dma_start3A_178, %dma_start3A_179] : memref<2x2x128xi32, #tpu.memory_space<vmem>> -> memref<1x2x128xi32, #tpu.memory_space<vmem>>
          %dma_start3A_181 = tpu.memref_squeeze %dma_start3A_180 : memref<1x2x128xi32, #tpu.memory_space<vmem>> -> memref<2x128xi32, #tpu.memory_space<vmem>>
          %dma_start3A_182 = arith.constant 0 : i32
          %dma_start3A_183 = arith.constant 0 : i32
          %dma_start3A_184 = tpu.memref_slice %arg3[%add3A_176, %dma_start3A_182, %dma_start3A_183] : memref<2528x2x128xi32, #tpu.memory_space<hbm>> -> memref<1x2x128xi32, #tpu.memory_space<hbm>>
          %dma_start3A_185 = tpu.memref_squeeze %dma_start3A_184 : memref<1x2x128xi32, #tpu.memory_space<hbm>> -> memref<2x128xi32, #tpu.memory_space<hbm>>
          %dma_start3A_186 = arith.constant 0 : i32
          %dma_start3A_187 = arith.constant 0 : i32
          %dma_start3A_188 = tpu.memref_slice %arg10[%dma_start3A_177, %dma_start3A_186, %dma_start3A_187] : memref<2x2x128xi32, #tpu.memory_space<vmem>> -> memref<1x2x128xi32, #tpu.memory_space<vmem>>
          %dma_start3A_189 = tpu.memref_squeeze %dma_start3A_188 : memref<1x2x128xi32, #tpu.memory_space<vmem>> -> memref<2x128xi32, #tpu.memory_space<vmem>>
          %dma_start3A_190 = arith.constant 0 : i32
          %dma_start3A_191 = arith.constant 0 : i32
          %dma_start3A_192 = tpu.memref_slice %arg3[%add3A_176, %dma_start3A_190, %dma_start3A_191] : memref<2528x2x128xi32, #tpu.memory_space<hbm>> -> memref<1x2x128xi32, #tpu.memory_space<hbm>>
          %dma_start3A_193 = tpu.memref_squeeze %dma_start3A_192 : memref<1x2x128xi32, #tpu.memory_space<hbm>> -> memref<2x128xi32, #tpu.memory_space<hbm>>
          tpu.enqueue_dma source(%dma_start3A_193 : memref<2x128xi32, #tpu.memory_space<hbm>>) target(%dma_start3A_189 : memref<2x128xi32, #tpu.memory_space<vmem>>) target_semaphore(%arg12 : memref<!tpu.dma_semaphore, #tpu.memory_space<semaphore_mem>>)
        } else {
        }
        %dma_wait3A_149 = arith.constant 1 : i32
        %dma_wait3A_150 = arith.constant 0 : i32
        %dma_wait3A_151 = arith.constant 0 : i32
        %dma_wait3A_152 = tpu.memref_slice %arg11[%dma_wait3A_149, %dma_wait3A_150, %dma_wait3A_151] : memref<2x128x128xf32, #tpu.memory_space<vmem>> -> memref<1x128x128xf32, #tpu.memory_space<vmem>>
        %dma_wait3A_153 = tpu.memref_squeeze %dma_wait3A_152 : memref<1x128x128xf32, #tpu.memory_space<vmem>> -> memref<128x128xf32, #tpu.memory_space<vmem>>
        %dma_wait3A_154 = arith.constant 0 : i32
        %dma_wait3A_155 = arith.constant 0 : i32
        %dma_wait3A_156 = tpu.memref_slice %arg2[%dma_wait3A_154, %dma_wait3A_155] : memref<10240x128xf32, #tpu.memory_space<hbm>> -> memref<128x128xf32, #tpu.memory_space<hbm>>
        %dma_wait3A_157 = arith.constant 0 : i32
        %dma_wait3A_158 = arith.constant 0 : i32
        %dma_wait3A_159 = tpu.memref_slice %arg11[%dma_wait3A_149, %dma_wait3A_157, %dma_wait3A_158] : memref<2x128x128xf32, #tpu.memory_space<vmem>> -> memref<1x128x128xf32, #tpu.memory_space<vmem>>
        %dma_wait3A_160 = tpu.memref_squeeze %dma_wait3A_159 : memref<1x128x128xf32, #tpu.memory_space<vmem>> -> memref<128x128xf32, #tpu.memory_space<vmem>>
        %dma_wait3A_161 = arith.constant 0 : i32
        %dma_wait3A_162 = arith.constant 0 : i32
        %dma_wait3A_163 = tpu.memref_slice %arg2[%dma_wait3A_161, %dma_wait3A_162] : memref<10240x128xf32, #tpu.memory_space<hbm>> -> memref<128x128xf32, #tpu.memory_space<hbm>>
        tpu.wait_dma2 semaphore(%arg15 : memref<!tpu.dma_semaphore, #tpu.memory_space<semaphore_mem>>) src(%dma_wait3A_163 : memref<128x128xf32, #tpu.memory_space<hbm>>) dst(%dma_wait3A_160 : memref<128x128xf32, #tpu.memory_space<vmem>>)
        %run_scoped3A_164 = arith.constant 1 : i32
        %run_scoped3A_165 = arith.constant 1 : i32
        %run_scoped3A_166 = arith.constant 1 : i32
        "tpu.region"() ({
          %run_scoped3A_174 = tpu.sem_alloc : memref<!tpu.dma_semaphore, #tpu.memory_space<semaphore_mem>>
          %dma_start3A_175 = arith.constant 0 : i32
          %dma_start3A_176 = arith.constant 0 : i32
          %dma_start3A_177 = tpu.memref_slice %arg11[%run_scoped3A_164, %dma_start3A_175, %dma_start3A_176] : memref<2x128x128xf32, #tpu.memory_space<vmem>> -> memref<1x128x128xf32, #tpu.memory_space<vmem>>
          %dma_start3A_178 = tpu.memref_squeeze %dma_start3A_177 : memref<1x128x128xf32, #tpu.memory_space<vmem>> -> memref<128x128xf32, #tpu.memory_space<vmem>>
          %dma_start3A_179 = arith.constant 0 : i32
          %dma_start3A_180 = tpu.memref_slice %arg10[%run_scoped3A_165, %run_scoped3A_166, %dma_start3A_179] : memref<2x2x128xi32, #tpu.memory_space<vmem>> -> memref<1x1x128xi32, #tpu.memory_space<vmem>>
          %dma_start3A_181 = tpu.memref_squeeze %dma_start3A_180 : memref<1x1x128xi32, #tpu.memory_space<vmem>> -> memref<128xi32, #tpu.memory_space<vmem>>
          %dma_start3A_182 = arith.constant 0 : i32
          %dma_start3A_183 = arith.constant 0 : i32
          %dma_start3A_184 = tpu.memref_slice %arg9[%dma_start3A_182, %dma_start3A_183] : memref<10240x128xf32, #tpu.memory_space<vmem_shared>> -> memref<10240x128xf32, #tpu.memory_space<vmem_shared>>
          tpu.enqueue_indirect_dma source(%dma_start3A_178 : memref<128x128xf32, #tpu.memory_space<vmem>>) target(%dma_start3A_184 : memref<10240x128xf32, #tpu.memory_space<vmem_shared>>) offsets(%dma_start3A_181 : memref<128xi32, #tpu.memory_space<vmem>>) semaphore(%run_scoped3A_174 : memref<!tpu.dma_semaphore, #tpu.memory_space<semaphore_mem>>) {add = true}
          %dma_wait3A_185 = arith.constant 0 : i32
          %dma_wait3A_186 = arith.constant 0 : i32
          %dma_wait3A_187 = tpu.memref_slice %arg11[%run_scoped3A_164, %dma_wait3A_185, %dma_wait3A_186] : memref<2x128x128xf32, #tpu.memory_space<vmem>> -> memref<1x128x128xf32, #tpu.memory_space<vmem>>
          %dma_wait3A_188 = tpu.memref_squeeze %dma_wait3A_187 : memref<1x128x128xf32, #tpu.memory_space<vmem>> -> memref<128x128xf32, #tpu.memory_space<vmem>>
          %dma_wait3A_189 = arith.constant 0 : i32
          %dma_wait3A_190 = tpu.memref_slice %arg10[%run_scoped3A_165, %run_scoped3A_166, %dma_wait3A_189] : memref<2x2x128xi32, #tpu.memory_space<vmem>> -> memref<1x1x128xi32, #tpu.memory_space<vmem>>
          %dma_wait3A_191 = tpu.memref_squeeze %dma_wait3A_190 : memref<1x1x128xi32, #tpu.memory_space<vmem>> -> memref<128xi32, #tpu.memory_space<vmem>>
          %dma_wait3A_192 = arith.constant 0 : i32
          %dma_wait3A_193 = arith.constant 0 : i32
          %dma_wait3A_194 = tpu.memref_slice %arg9[%dma_wait3A_192, %dma_wait3A_193] : memref<10240x128xf32, #tpu.memory_space<vmem_shared>> -> memref<10240x128xf32, #tpu.memory_space<vmem_shared>>
          tpu.wait_indirect_dma semaphore(%run_scoped3A_174 : memref<!tpu.dma_semaphore, #tpu.memory_space<semaphore_mem>>) src(%dma_wait3A_188 : memref<128x128xf32, #tpu.memory_space<vmem>>) dst(%dma_wait3A_194 : memref<10240x128xf32, #tpu.memory_space<vmem_shared>>)
          tpu.yield
        }) : () -> ()
        %run_scoped3A_167 = arith.constant 1 : i32
        %run_scoped3A_168 = arith.constant 1 : i32
        "tpu.region"() ({
          %run_scoped3A_174 = tpu.sem_alloc : memref<!tpu.dma_semaphore, #tpu.memory_space<semaphore_mem>>
          %dma_start3A_175 = arith.constant 0 : i32
          %dma_start3A_176 = tpu.memref_slice %arg10[%run_scoped3A_167, %run_scoped3A_168, %dma_start3A_175] : memref<2x2x128xi32, #tpu.memory_space<vmem>> -> memref<1x1x128xi32, #tpu.memory_space<vmem>>
          %dma_start3A_177 = tpu.memref_squeeze %dma_start3A_176 : memref<1x1x128xi32, #tpu.memory_space<vmem>> -> memref<128xi32, #tpu.memory_space<vmem>>
          %dma_start3A_178 = arith.constant 0 : i32
          %dma_start3A_179 = tpu.memref_slice %arg16[%dma_start3A_178] : memref<10240xf32, #tpu.memory_space<vmem_shared>> -> memref<10240xf32, #tpu.memory_space<vmem_shared>>
          tpu.enqueue_indirect_dma source(%arg17 : memref<128xf32, #tpu.memory_space<vmem>>) target(%dma_start3A_179 : memref<10240xf32, #tpu.memory_space<vmem_shared>>) offsets(%dma_start3A_177 : memref<128xi32, #tpu.memory_space<vmem>>) semaphore(%run_scoped3A_174 : memref<!tpu.dma_semaphore, #tpu.memory_space<semaphore_mem>>) {add = true}
          %dma_wait3A_180 = arith.constant 0 : i32
          %dma_wait3A_181 = tpu.memref_slice %arg10[%run_scoped3A_167, %run_scoped3A_168, %dma_wait3A_180] : memref<2x2x128xi32, #tpu.memory_space<vmem>> -> memref<1x1x128xi32, #tpu.memory_space<vmem>>
          %dma_wait3A_182 = tpu.memref_squeeze %dma_wait3A_181 : memref<1x1x128xi32, #tpu.memory_space<vmem>> -> memref<128xi32, #tpu.memory_space<vmem>>
          %dma_wait3A_183 = arith.constant 0 : i32
          %dma_wait3A_184 = tpu.memref_slice %arg16[%dma_wait3A_183] : memref<10240xf32, #tpu.memory_space<vmem_shared>> -> memref<10240xf32, #tpu.memory_space<vmem_shared>>
          tpu.wait_indirect_dma semaphore(%run_scoped3A_174 : memref<!tpu.dma_semaphore, #tpu.memory_space<semaphore_mem>>) src(%arg17 : memref<128xf32, #tpu.memory_space<vmem>>) dst(%dma_wait3A_184 : memref<10240xf32, #tpu.memory_space<vmem_shared>>)
          tpu.yield
        }) : () -> ()
        %lt3A_169 = arith.constant 61 : i32
        %lt3A_170 = arith.cmpi slt, %scan3A_62, %lt3A_169 : i32
        %convert_element_type3A_171 = arith.extui %lt3A_170 : i1 to i32
        %cond3A_172 = arith.constant 0 : i32
        %cond3A_173 = arith.cmpi ne, %convert_element_type3A_171, %cond3A_172 : i32
        scf.if %cond3A_173 {
          %add3A_174 = arith.constant 3 : i32
          %add3A_175 = arith.addi %mul3A_64, %add3A_174 : i32
          %add3A_176 = arith.addi %mul3A_20, %add3A_175 : i32
          %dma_start3A_177 = arith.constant 1 : i32
          %dma_start3A_178 = arith.constant 0 : i32
          %dma_start3A_179 = arith.constant 0 : i32
          %dma_start3A_180 = tpu.memref_slice %arg10[%dma_start3A_177, %dma_start3A_178, %dma_start3A_179] : memref<2x2x128xi32, #tpu.memory_space<vmem>> -> memref<1x2x128xi32, #tpu.memory_space<vmem>>
          %dma_start3A_181 = tpu.memref_squeeze %dma_start3A_180 : memref<1x2x128xi32, #tpu.memory_space<vmem>> -> memref<2x128xi32, #tpu.memory_space<vmem>>
          %dma_start3A_182 = arith.constant 0 : i32
          %dma_start3A_183 = arith.constant 0 : i32
          %dma_start3A_184 = tpu.memref_slice %arg3[%add3A_176, %dma_start3A_182, %dma_start3A_183] : memref<2528x2x128xi32, #tpu.memory_space<hbm>> -> memref<1x2x128xi32, #tpu.memory_space<hbm>>
          %dma_start3A_185 = tpu.memref_squeeze %dma_start3A_184 : memref<1x2x128xi32, #tpu.memory_space<hbm>> -> memref<2x128xi32, #tpu.memory_space<hbm>>
          %dma_start3A_186 = arith.constant 0 : i32
          %dma_start3A_187 = arith.constant 0 : i32
          %dma_start3A_188 = tpu.memref_slice %arg10[%dma_start3A_177, %dma_start3A_186, %dma_start3A_187] : memref<2x2x128xi32, #tpu.memory_space<vmem>> -> memref<1x2x128xi32, #tpu.memory_space<vmem>>
          %dma_start3A_189 = tpu.memref_squeeze %dma_start3A_188 : memref<1x2x128xi32, #tpu.memory_space<vmem>> -> memref<2x128xi32, #tpu.memory_space<vmem>>
          %dma_start3A_190 = arith.constant 0 : i32
          %dma_start3A_191 = arith.constant 0 : i32
          %dma_start3A_192 = tpu.memref_slice %arg3[%add3A_176, %dma_start3A_190, %dma_start3A_191] : memref<2528x2x128xi32, #tpu.memory_space<hbm>> -> memref<1x2x128xi32, #tpu.memory_space<hbm>>
          %dma_start3A_193 = tpu.memref_squeeze %dma_start3A_192 : memref<1x2x128xi32, #tpu.memory_space<hbm>> -> memref<2x128xi32, #tpu.memory_space<hbm>>
          tpu.enqueue_dma source(%dma_start3A_193 : memref<2x128xi32, #tpu.memory_space<hbm>>) target(%dma_start3A_189 : memref<2x128xi32, #tpu.memory_space<vmem>>) target_semaphore(%arg13 : memref<!tpu.dma_semaphore, #tpu.memory_space<semaphore_mem>>)
        } else {
        }
      }
      %scan3A_61 = arith.constant 62 : i32
    } else {
    }
    %eq3A_5 = arith.constant 1 : i32
    %eq3A_6 = arith.cmpi eq, %arg0, %eq3A_5 : i32
    %convert_element_type3A_7 = arith.extui %eq3A_6 : i1 to i32
    %cond3A_8 = arith.constant 0 : i32
    %cond3A_9 = arith.cmpi ne, %convert_element_type3A_7, %cond3A_8 : i32
    scf.if %cond3A_9 {
      %mul3A_19 = arith.constant 34 : i32
      %mul3A_20 = arith.muli %arg1, %mul3A_19 : i32
      %add3A = arith.constant 1984 : i32
      %add3A_21 = arith.addi %add3A, %mul3A_20 : i32
      %add3A_22 = arith.constant 0 : i32
      %add3A_23 = arith.addi %add3A_21, %add3A_22 : i32
      %dma_start3A = arith.constant 0 : i32
      %dma_start3A_24 = arith.constant 0 : i32
      %dma_start3A_25 = arith.constant 0 : i32
      %dma_start3A_26 = tpu.memref_slice %arg10[%dma_start3A, %dma_start3A_24, %dma_start3A_25] : memref<2x2x128xi32, #tpu.memory_space<vmem>> -> memref<1x2x128xi32, #tpu.memory_space<vmem>>
      %dma_start3A_27 = tpu.memref_squeeze %dma_start3A_26 : memref<1x2x128xi32, #tpu.memory_space<vmem>> -> memref<2x128xi32, #tpu.memory_space<vmem>>
      %dma_start3A_28 = arith.constant 0 : i32
      %dma_start3A_29 = arith.constant 0 : i32
      %dma_start3A_30 = tpu.memref_slice %arg3[%add3A_23, %dma_start3A_28, %dma_start3A_29] : memref<2528x2x128xi32, #tpu.memory_space<hbm>> -> memref<1x2x128xi32, #tpu.memory_space<hbm>>
      %dma_start3A_31 = tpu.memref_squeeze %dma_start3A_30 : memref<1x2x128xi32, #tpu.memory_space<hbm>> -> memref<2x128xi32, #tpu.memory_space<hbm>>
      %dma_start3A_32 = arith.constant 0 : i32
      %dma_start3A_33 = arith.constant 0 : i32
      %dma_start3A_34 = tpu.memref_slice %arg10[%dma_start3A, %dma_start3A_32, %dma_start3A_33] : memref<2x2x128xi32, #tpu.memory_space<vmem>> -> memref<1x2x128xi32, #tpu.memory_space<vmem>>
      %dma_start3A_35 = tpu.memref_squeeze %dma_start3A_34 : memref<1x2x128xi32, #tpu.memory_space<vmem>> -> memref<2x128xi32, #tpu.memory_space<vmem>>
      %dma_start3A_36 = arith.constant 0 : i32
      %dma_start3A_37 = arith.constant 0 : i32
      %dma_start3A_38 = tpu.memref_slice %arg3[%add3A_23, %dma_start3A_36, %dma_start3A_37] : memref<2528x2x128xi32, #tpu.memory_space<hbm>> -> memref<1x2x128xi32, #tpu.memory_space<hbm>>
      %dma_start3A_39 = tpu.memref_squeeze %dma_start3A_38 : memref<1x2x128xi32, #tpu.memory_space<hbm>> -> memref<2x128xi32, #tpu.memory_space<hbm>>
      tpu.enqueue_dma source(%dma_start3A_39 : memref<2x128xi32, #tpu.memory_space<hbm>>) target(%dma_start3A_35 : memref<2x128xi32, #tpu.memory_space<vmem>>) target_semaphore(%arg12 : memref<!tpu.dma_semaphore, #tpu.memory_space<semaphore_mem>>)
      %add3A_40 = arith.constant 1 : i32
      %add3A_41 = arith.addi %add3A_21, %add3A_40 : i32
      %dma_start3A_42 = arith.constant 1 : i32
      %dma_start3A_43 = arith.constant 0 : i32
      %dma_start3A_44 = arith.constant 0 : i32
      %dma_start3A_45 = tpu.memref_slice %arg10[%dma_start3A_42, %dma_start3A_43, %dma_start3A_44] : memref<2x2x128xi32, #tpu.memory_space<vmem>> -> memref<1x2x128xi32, #tpu.memory_space<vmem>>
      %dma_start3A_46 = tpu.memref_squeeze %dma_start3A_45 : memref<1x2x128xi32, #tpu.memory_space<vmem>> -> memref<2x128xi32, #tpu.memory_space<vmem>>
      %dma_start3A_47 = arith.constant 0 : i32
      %dma_start3A_48 = arith.constant 0 : i32
      %dma_start3A_49 = tpu.memref_slice %arg3[%add3A_41, %dma_start3A_47, %dma_start3A_48] : memref<2528x2x128xi32, #tpu.memory_space<hbm>> -> memref<1x2x128xi32, #tpu.memory_space<hbm>>
      %dma_start3A_50 = tpu.memref_squeeze %dma_start3A_49 : memref<1x2x128xi32, #tpu.memory_space<hbm>> -> memref<2x128xi32, #tpu.memory_space<hbm>>
      %dma_start3A_51 = arith.constant 0 : i32
      %dma_start3A_52 = arith.constant 0 : i32
      %dma_start3A_53 = tpu.memref_slice %arg10[%dma_start3A_42, %dma_start3A_51, %dma_start3A_52] : memref<2x2x128xi32, #tpu.memory_space<vmem>> -> memref<1x2x128xi32, #tpu.memory_space<vmem>>
      %dma_start3A_54 = tpu.memref_squeeze %dma_start3A_53 : memref<1x2x128xi32, #tpu.memory_space<vmem>> -> memref<2x128xi32, #tpu.memory_space<vmem>>
      %dma_start3A_55 = arith.constant 0 : i32
      %dma_start3A_56 = arith.constant 0 : i32
      %dma_start3A_57 = tpu.memref_slice %arg3[%add3A_41, %dma_start3A_55, %dma_start3A_56] : memref<2528x2x128xi32, #tpu.memory_space<hbm>> -> memref<1x2x128xi32, #tpu.memory_space<hbm>>
      %dma_start3A_58 = tpu.memref_squeeze %dma_start3A_57 : memref<1x2x128xi32, #tpu.memory_space<hbm>> -> memref<2x128xi32, #tpu.memory_space<hbm>>
      tpu.enqueue_dma source(%dma_start3A_58 : memref<2x128xi32, #tpu.memory_space<hbm>>) target(%dma_start3A_54 : memref<2x128xi32, #tpu.memory_space<vmem>>) target_semaphore(%arg13 : memref<!tpu.dma_semaphore, #tpu.memory_space<semaphore_mem>>)
      %scan3A = arith.constant 0 : i32
      %scan3A_59 = arith.constant 0 : i32
      %scan3A_60 = arith.constant 17 : i32
      %scan3A_61 = arith.addi %scan3A_59, %scan3A_60 : i32
      %scan3A_62 = arith.constant 1 : i32
      scf.for %scan3A_64 = %scan3A_59 to %scan3A_61 step %scan3A_62  : i32 {
        %mul3A_65 = arith.constant 2 : i32
        %mul3A_66 = arith.muli %mul3A_65, %scan3A_64 : i32
        %dma_wait3A = arith.constant 0 : i32
        %dma_wait3A_67 = arith.constant 0 : i32
        %dma_wait3A_68 = arith.constant 0 : i32
        %dma_wait3A_69 = arith.constant 0 : i32
        %dma_wait3A_70 = tpu.memref_slice %arg10[%dma_wait3A_67, %dma_wait3A_68, %dma_wait3A_69] : memref<2x2x128xi32, #tpu.memory_space<vmem>> -> memref<1x2x128xi32, #tpu.memory_space<vmem>>
        %dma_wait3A_71 = tpu.memref_squeeze %dma_wait3A_70 : memref<1x2x128xi32, #tpu.memory_space<vmem>> -> memref<2x128xi32, #tpu.memory_space<vmem>>
        %dma_wait3A_72 = arith.constant 0 : i32
        %dma_wait3A_73 = arith.constant 0 : i32
        %dma_wait3A_74 = tpu.memref_slice %arg3[%dma_wait3A, %dma_wait3A_72, %dma_wait3A_73] : memref<2528x2x128xi32, #tpu.memory_space<hbm>> -> memref<1x2x128xi32, #tpu.memory_space<hbm>>
        %dma_wait3A_75 = tpu.memref_squeeze %dma_wait3A_74 : memref<1x2x128xi32, #tpu.memory_space<hbm>> -> memref<2x128xi32, #tpu.memory_space<hbm>>
        %dma_wait3A_76 = arith.constant 0 : i32
        %dma_wait3A_77 = arith.constant 0 : i32
        %dma_wait3A_78 = tpu.memref_slice %arg10[%dma_wait3A_67, %dma_wait3A_76, %dma_wait3A_77] : memref<2x2x128xi32, #tpu.memory_space<vmem>> -> memref<1x2x128xi32, #tpu.memory_space<vmem>>
        %dma_wait3A_79 = tpu.memref_squeeze %dma_wait3A_78 : memref<1x2x128xi32, #tpu.memory_space<vmem>> -> memref<2x128xi32, #tpu.memory_space<vmem>>
        %dma_wait3A_80 = arith.constant 0 : i32
        %dma_wait3A_81 = arith.constant 0 : i32
        %dma_wait3A_82 = tpu.memref_slice %arg3[%dma_wait3A, %dma_wait3A_80, %dma_wait3A_81] : memref<2528x2x128xi32, #tpu.memory_space<hbm>> -> memref<1x2x128xi32, #tpu.memory_space<hbm>>
        %dma_wait3A_83 = tpu.memref_squeeze %dma_wait3A_82 : memref<1x2x128xi32, #tpu.memory_space<hbm>> -> memref<2x128xi32, #tpu.memory_space<hbm>>
        tpu.wait_dma2 semaphore(%arg12 : memref<!tpu.dma_semaphore, #tpu.memory_space<semaphore_mem>>) src(%dma_wait3A_83 : memref<2x128xi32, #tpu.memory_space<hbm>>) dst(%dma_wait3A_79 : memref<2x128xi32, #tpu.memory_space<vmem>>)
        %dma_start3A_84 = arith.constant 0 : i32
        %dma_start3A_85 = arith.constant 0 : i32
        %dma_start3A_86 = arith.constant 0 : i32
        %dma_start3A_87 = arith.constant 0 : i32
        %dma_start3A_88 = arith.constant 0 : i32
        %dma_start3A_89 = tpu.memref_slice %arg11[%dma_start3A_86, %dma_start3A_87, %dma_start3A_88] : memref<2x128x128xf32, #tpu.memory_space<vmem>> -> memref<1x128x128xf32, #tpu.memory_space<vmem>>
        %dma_start3A_90 = tpu.memref_squeeze %dma_start3A_89 : memref<1x128x128xf32, #tpu.memory_space<vmem>> -> memref<128x128xf32, #tpu.memory_space<vmem>>
        %dma_start3A_91 = arith.constant 0 : i32
        %dma_start3A_92 = tpu.memref_slice %arg10[%dma_start3A_84, %dma_start3A_85, %dma_start3A_91] : memref<2x2x128xi32, #tpu.memory_space<vmem>> -> memref<1x1x128xi32, #tpu.memory_space<vmem>>
        %dma_start3A_93 = tpu.memref_squeeze %dma_start3A_92 : memref<1x1x128xi32, #tpu.memory_space<vmem>> -> memref<128xi32, #tpu.memory_space<vmem>>
        %dma_start3A_94 = arith.constant 0 : i32
        %dma_start3A_95 = arith.constant 0 : i32
        %dma_start3A_96 = tpu.memref_slice %arg2[%dma_start3A_94, %dma_start3A_95] : memref<10240x128xf32, #tpu.memory_space<hbm>> -> memref<10240x128xf32, #tpu.memory_space<hbm>>
        tpu.enqueue_indirect_dma source(%dma_start3A_96 : memref<10240x128xf32, #tpu.memory_space<hbm>>) target(%dma_start3A_90 : memref<128x128xf32, #tpu.memory_space<vmem>>) offsets(%dma_start3A_93 : memref<128xi32, #tpu.memory_space<vmem>>) semaphore(%arg14 : memref<!tpu.dma_semaphore, #tpu.memory_space<semaphore_mem>>)
        %dma_wait3A_97 = arith.constant 0 : i32
        %dma_wait3A_98 = arith.constant 1 : i32
        %dma_wait3A_99 = arith.constant 0 : i32
        %dma_wait3A_100 = arith.constant 0 : i32
        %dma_wait3A_101 = tpu.memref_slice %arg10[%dma_wait3A_98, %dma_wait3A_99, %dma_wait3A_100] : memref<2x2x128xi32, #tpu.memory_space<vmem>> -> memref<1x2x128xi32, #tpu.memory_space<vmem>>
        %dma_wait3A_102 = tpu.memref_squeeze %dma_wait3A_101 : memref<1x2x128xi32, #tpu.memory_space<vmem>> -> memref<2x128xi32, #tpu.memory_space<vmem>>
        %dma_wait3A_103 = arith.constant 0 : i32
        %dma_wait3A_104 = arith.constant 0 : i32
        %dma_wait3A_105 = tpu.memref_slice %arg3[%dma_wait3A_97, %dma_wait3A_103, %dma_wait3A_104] : memref<2528x2x128xi32, #tpu.memory_space<hbm>> -> memref<1x2x128xi32, #tpu.memory_space<hbm>>
        %dma_wait3A_106 = tpu.memref_squeeze %dma_wait3A_105 : memref<1x2x128xi32, #tpu.memory_space<hbm>> -> memref<2x128xi32, #tpu.memory_space<hbm>>
        %dma_wait3A_107 = arith.constant 0 : i32
        %dma_wait3A_108 = arith.constant 0 : i32
        %dma_wait3A_109 = tpu.memref_slice %arg10[%dma_wait3A_98, %dma_wait3A_107, %dma_wait3A_108] : memref<2x2x128xi32, #tpu.memory_space<vmem>> -> memref<1x2x128xi32, #tpu.memory_space<vmem>>
        %dma_wait3A_110 = tpu.memref_squeeze %dma_wait3A_109 : memref<1x2x128xi32, #tpu.memory_space<vmem>> -> memref<2x128xi32, #tpu.memory_space<vmem>>
        %dma_wait3A_111 = arith.constant 0 : i32
        %dma_wait3A_112 = arith.constant 0 : i32
        %dma_wait3A_113 = tpu.memref_slice %arg3[%dma_wait3A_97, %dma_wait3A_111, %dma_wait3A_112] : memref<2528x2x128xi32, #tpu.memory_space<hbm>> -> memref<1x2x128xi32, #tpu.memory_space<hbm>>
        %dma_wait3A_114 = tpu.memref_squeeze %dma_wait3A_113 : memref<1x2x128xi32, #tpu.memory_space<hbm>> -> memref<2x128xi32, #tpu.memory_space<hbm>>
        tpu.wait_dma2 semaphore(%arg13 : memref<!tpu.dma_semaphore, #tpu.memory_space<semaphore_mem>>) src(%dma_wait3A_114 : memref<2x128xi32, #tpu.memory_space<hbm>>) dst(%dma_wait3A_110 : memref<2x128xi32, #tpu.memory_space<vmem>>)
        %dma_start3A_115 = arith.constant 1 : i32
        %dma_start3A_116 = arith.constant 0 : i32
        %dma_start3A_117 = arith.constant 1 : i32
        %dma_start3A_118 = arith.constant 0 : i32
        %dma_start3A_119 = arith.constant 0 : i32
        %dma_start3A_120 = tpu.memref_slice %arg11[%dma_start3A_117, %dma_start3A_118, %dma_start3A_119] : memref<2x128x128xf32, #tpu.memory_space<vmem>> -> memref<1x128x128xf32, #tpu.memory_space<vmem>>
        %dma_start3A_121 = tpu.memref_squeeze %dma_start3A_120 : memref<1x128x128xf32, #tpu.memory_space<vmem>> -> memref<128x128xf32, #tpu.memory_space<vmem>>
        %dma_start3A_122 = arith.constant 0 : i32
        %dma_start3A_123 = tpu.memref_slice %arg10[%dma_start3A_115, %dma_start3A_116, %dma_start3A_122] : memref<2x2x128xi32, #tpu.memory_space<vmem>> -> memref<1x1x128xi32, #tpu.memory_space<vmem>>
        %dma_start3A_124 = tpu.memref_squeeze %dma_start3A_123 : memref<1x1x128xi32, #tpu.memory_space<vmem>> -> memref<128xi32, #tpu.memory_space<vmem>>
        %dma_start3A_125 = arith.constant 0 : i32
        %dma_start3A_126 = arith.constant 0 : i32
        %dma_start3A_127 = tpu.memref_slice %arg2[%dma_start3A_125, %dma_start3A_126] : memref<10240x128xf32, #tpu.memory_space<hbm>> -> memref<10240x128xf32, #tpu.memory_space<hbm>>
        tpu.enqueue_indirect_dma source(%dma_start3A_127 : memref<10240x128xf32, #tpu.memory_space<hbm>>) target(%dma_start3A_121 : memref<128x128xf32, #tpu.memory_space<vmem>>) offsets(%dma_start3A_124 : memref<128xi32, #tpu.memory_space<vmem>>) semaphore(%arg15 : memref<!tpu.dma_semaphore, #tpu.memory_space<semaphore_mem>>)
        %dma_wait3A_128 = arith.constant 0 : i32
        %dma_wait3A_129 = arith.constant 0 : i32
        %dma_wait3A_130 = arith.constant 0 : i32
        %dma_wait3A_131 = tpu.memref_slice %arg11[%dma_wait3A_128, %dma_wait3A_129, %dma_wait3A_130] : memref<2x128x128xf32, #tpu.memory_space<vmem>> -> memref<1x128x128xf32, #tpu.memory_space<vmem>>
        %dma_wait3A_132 = tpu.memref_squeeze %dma_wait3A_131 : memref<1x128x128xf32, #tpu.memory_space<vmem>> -> memref<128x128xf32, #tpu.memory_space<vmem>>
        %dma_wait3A_133 = arith.constant 0 : i32
        %dma_wait3A_134 = arith.constant 0 : i32
        %dma_wait3A_135 = tpu.memref_slice %arg2[%dma_wait3A_133, %dma_wait3A_134] : memref<10240x128xf32, #tpu.memory_space<hbm>> -> memref<128x128xf32, #tpu.memory_space<hbm>>
        %dma_wait3A_136 = arith.constant 0 : i32
        %dma_wait3A_137 = arith.constant 0 : i32
        %dma_wait3A_138 = tpu.memref_slice %arg11[%dma_wait3A_128, %dma_wait3A_136, %dma_wait3A_137] : memref<2x128x128xf32, #tpu.memory_space<vmem>> -> memref<1x128x128xf32, #tpu.memory_space<vmem>>
        %dma_wait3A_139 = tpu.memref_squeeze %dma_wait3A_138 : memref<1x128x128xf32, #tpu.memory_space<vmem>> -> memref<128x128xf32, #tpu.memory_space<vmem>>
        %dma_wait3A_140 = arith.constant 0 : i32
        %dma_wait3A_141 = arith.constant 0 : i32
        %dma_wait3A_142 = tpu.memref_slice %arg2[%dma_wait3A_140, %dma_wait3A_141] : memref<10240x128xf32, #tpu.memory_space<hbm>> -> memref<128x128xf32, #tpu.memory_space<hbm>>
        tpu.wait_dma2 semaphore(%arg14 : memref<!tpu.dma_semaphore, #tpu.memory_space<semaphore_mem>>) src(%dma_wait3A_142 : memref<128x128xf32, #tpu.memory_space<hbm>>) dst(%dma_wait3A_139 : memref<128x128xf32, #tpu.memory_space<vmem>>)
        %run_scoped3A = arith.constant 0 : i32
        %run_scoped3A_143 = arith.constant 0 : i32
        %run_scoped3A_144 = arith.constant 1 : i32
        "tpu.region"() ({
          %run_scoped3A_176 = tpu.sem_alloc : memref<!tpu.dma_semaphore, #tpu.memory_space<semaphore_mem>>
          %dma_start3A_177 = arith.constant 0 : i32
          %dma_start3A_178 = arith.constant 0 : i32
          %dma_start3A_179 = tpu.memref_slice %arg11[%run_scoped3A, %dma_start3A_177, %dma_start3A_178] : memref<2x128x128xf32, #tpu.memory_space<vmem>> -> memref<1x128x128xf32, #tpu.memory_space<vmem>>
          %dma_start3A_180 = tpu.memref_squeeze %dma_start3A_179 : memref<1x128x128xf32, #tpu.memory_space<vmem>> -> memref<128x128xf32, #tpu.memory_space<vmem>>
          %dma_start3A_181 = arith.constant 0 : i32
          %dma_start3A_182 = tpu.memref_slice %arg10[%run_scoped3A_143, %run_scoped3A_144, %dma_start3A_181] : memref<2x2x128xi32, #tpu.memory_space<vmem>> -> memref<1x1x128xi32, #tpu.memory_space<vmem>>
          %dma_start3A_183 = tpu.memref_squeeze %dma_start3A_182 : memref<1x1x128xi32, #tpu.memory_space<vmem>> -> memref<128xi32, #tpu.memory_space<vmem>>
          %dma_start3A_184 = arith.constant 0 : i32
          %dma_start3A_185 = arith.constant 0 : i32
          %dma_start3A_186 = tpu.memref_slice %arg9[%dma_start3A_184, %dma_start3A_185] : memref<10240x128xf32, #tpu.memory_space<vmem_shared>> -> memref<10240x128xf32, #tpu.memory_space<vmem_shared>>
          tpu.enqueue_indirect_dma source(%dma_start3A_180 : memref<128x128xf32, #tpu.memory_space<vmem>>) target(%dma_start3A_186 : memref<10240x128xf32, #tpu.memory_space<vmem_shared>>) offsets(%dma_start3A_183 : memref<128xi32, #tpu.memory_space<vmem>>) semaphore(%run_scoped3A_176 : memref<!tpu.dma_semaphore, #tpu.memory_space<semaphore_mem>>) {add = true}
          %dma_wait3A_187 = arith.constant 0 : i32
          %dma_wait3A_188 = arith.constant 0 : i32
          %dma_wait3A_189 = tpu.memref_slice %arg11[%run_scoped3A, %dma_wait3A_187, %dma_wait3A_188] : memref<2x128x128xf32, #tpu.memory_space<vmem>> -> memref<1x128x128xf32, #tpu.memory_space<vmem>>
          %dma_wait3A_190 = tpu.memref_squeeze %dma_wait3A_189 : memref<1x128x128xf32, #tpu.memory_space<vmem>> -> memref<128x128xf32, #tpu.memory_space<vmem>>
          %dma_wait3A_191 = arith.constant 0 : i32
          %dma_wait3A_192 = tpu.memref_slice %arg10[%run_scoped3A_143, %run_scoped3A_144, %dma_wait3A_191] : memref<2x2x128xi32, #tpu.memory_space<vmem>> -> memref<1x1x128xi32, #tpu.memory_space<vmem>>
          %dma_wait3A_193 = tpu.memref_squeeze %dma_wait3A_192 : memref<1x1x128xi32, #tpu.memory_space<vmem>> -> memref<128xi32, #tpu.memory_space<vmem>>
          %dma_wait3A_194 = arith.constant 0 : i32
          %dma_wait3A_195 = arith.constant 0 : i32
          %dma_wait3A_196 = tpu.memref_slice %arg9[%dma_wait3A_194, %dma_wait3A_195] : memref<10240x128xf32, #tpu.memory_space<vmem_shared>> -> memref<10240x128xf32, #tpu.memory_space<vmem_shared>>
          tpu.wait_indirect_dma semaphore(%run_scoped3A_176 : memref<!tpu.dma_semaphore, #tpu.memory_space<semaphore_mem>>) src(%dma_wait3A_190 : memref<128x128xf32, #tpu.memory_space<vmem>>) dst(%dma_wait3A_196 : memref<10240x128xf32, #tpu.memory_space<vmem_shared>>)
          tpu.yield
        }) : () -> ()
        %run_scoped3A_145 = arith.constant 0 : i32
        %run_scoped3A_146 = arith.constant 1 : i32
        "tpu.region"() ({
          %run_scoped3A_176 = tpu.sem_alloc : memref<!tpu.dma_semaphore, #tpu.memory_space<semaphore_mem>>
          %dma_start3A_177 = arith.constant 0 : i32
          %dma_start3A_178 = tpu.memref_slice %arg10[%run_scoped3A_145, %run_scoped3A_146, %dma_start3A_177] : memref<2x2x128xi32, #tpu.memory_space<vmem>> -> memref<1x1x128xi32, #tpu.memory_space<vmem>>
          %dma_start3A_179 = tpu.memref_squeeze %dma_start3A_178 : memref<1x1x128xi32, #tpu.memory_space<vmem>> -> memref<128xi32, #tpu.memory_space<vmem>>
          %dma_start3A_180 = arith.constant 0 : i32
          %dma_start3A_181 = tpu.memref_slice %arg16[%dma_start3A_180] : memref<10240xf32, #tpu.memory_space<vmem_shared>> -> memref<10240xf32, #tpu.memory_space<vmem_shared>>
          tpu.enqueue_indirect_dma source(%arg17 : memref<128xf32, #tpu.memory_space<vmem>>) target(%dma_start3A_181 : memref<10240xf32, #tpu.memory_space<vmem_shared>>) offsets(%dma_start3A_179 : memref<128xi32, #tpu.memory_space<vmem>>) semaphore(%run_scoped3A_176 : memref<!tpu.dma_semaphore, #tpu.memory_space<semaphore_mem>>) {add = true}
          %dma_wait3A_182 = arith.constant 0 : i32
          %dma_wait3A_183 = tpu.memref_slice %arg10[%run_scoped3A_145, %run_scoped3A_146, %dma_wait3A_182] : memref<2x2x128xi32, #tpu.memory_space<vmem>> -> memref<1x1x128xi32, #tpu.memory_space<vmem>>
          %dma_wait3A_184 = tpu.memref_squeeze %dma_wait3A_183 : memref<1x1x128xi32, #tpu.memory_space<vmem>> -> memref<128xi32, #tpu.memory_space<vmem>>
          %dma_wait3A_185 = arith.constant 0 : i32
          %dma_wait3A_186 = tpu.memref_slice %arg16[%dma_wait3A_185] : memref<10240xf32, #tpu.memory_space<vmem_shared>> -> memref<10240xf32, #tpu.memory_space<vmem_shared>>
          tpu.wait_indirect_dma semaphore(%run_scoped3A_176 : memref<!tpu.dma_semaphore, #tpu.memory_space<semaphore_mem>>) src(%arg17 : memref<128xf32, #tpu.memory_space<vmem>>) dst(%dma_wait3A_186 : memref<10240xf32, #tpu.memory_space<vmem_shared>>)
          tpu.yield
        }) : () -> ()
        %lt3A = arith.constant 16 : i32
        %lt3A_147 = arith.cmpi slt, %scan3A_64, %lt3A : i32
        %convert_element_type3A_148 = arith.extui %lt3A_147 : i1 to i32
        %cond3A_149 = arith.constant 0 : i32
        %cond3A_150 = arith.cmpi ne, %convert_element_type3A_148, %cond3A_149 : i32
        scf.if %cond3A_150 {
          %add3A_176 = arith.constant 2 : i32
          %add3A_177 = arith.addi %mul3A_66, %add3A_176 : i32
          %add3A_178 = arith.addi %add3A_21, %add3A_177 : i32
          %dma_start3A_179 = arith.constant 0 : i32
          %dma_start3A_180 = arith.constant 0 : i32
          %dma_start3A_181 = arith.constant 0 : i32
          %dma_start3A_182 = tpu.memref_slice %arg10[%dma_start3A_179, %dma_start3A_180, %dma_start3A_181] : memref<2x2x128xi32, #tpu.memory_space<vmem>> -> memref<1x2x128xi32, #tpu.memory_space<vmem>>
          %dma_start3A_183 = tpu.memref_squeeze %dma_start3A_182 : memref<1x2x128xi32, #tpu.memory_space<vmem>> -> memref<2x128xi32, #tpu.memory_space<vmem>>
          %dma_start3A_184 = arith.constant 0 : i32
          %dma_start3A_185 = arith.constant 0 : i32
          %dma_start3A_186 = tpu.memref_slice %arg3[%add3A_178, %dma_start3A_184, %dma_start3A_185] : memref<2528x2x128xi32, #tpu.memory_space<hbm>> -> memref<1x2x128xi32, #tpu.memory_space<hbm>>
          %dma_start3A_187 = tpu.memref_squeeze %dma_start3A_186 : memref<1x2x128xi32, #tpu.memory_space<hbm>> -> memref<2x128xi32, #tpu.memory_space<hbm>>
          %dma_start3A_188 = arith.constant 0 : i32
          %dma_start3A_189 = arith.constant 0 : i32
          %dma_start3A_190 = tpu.memref_slice %arg10[%dma_start3A_179, %dma_start3A_188, %dma_start3A_189] : memref<2x2x128xi32, #tpu.memory_space<vmem>> -> memref<1x2x128xi32, #tpu.memory_space<vmem>>
          %dma_start3A_191 = tpu.memref_squeeze %dma_start3A_190 : memref<1x2x128xi32, #tpu.memory_space<vmem>> -> memref<2x128xi32, #tpu.memory_space<vmem>>
          %dma_start3A_192 = arith.constant 0 : i32
          %dma_start3A_193 = arith.constant 0 : i32
          %dma_start3A_194 = tpu.memref_slice %arg3[%add3A_178, %dma_start3A_192, %dma_start3A_193] : memref<2528x2x128xi32, #tpu.memory_space<hbm>> -> memref<1x2x128xi32, #tpu.memory_space<hbm>>
          %dma_start3A_195 = tpu.memref_squeeze %dma_start3A_194 : memref<1x2x128xi32, #tpu.memory_space<hbm>> -> memref<2x128xi32, #tpu.memory_space<hbm>>
          tpu.enqueue_dma source(%dma_start3A_195 : memref<2x128xi32, #tpu.memory_space<hbm>>) target(%dma_start3A_191 : memref<2x128xi32, #tpu.memory_space<vmem>>) target_semaphore(%arg12 : memref<!tpu.dma_semaphore, #tpu.memory_space<semaphore_mem>>)
        } else {
        }
        %dma_wait3A_151 = arith.constant 1 : i32
        %dma_wait3A_152 = arith.constant 0 : i32
        %dma_wait3A_153 = arith.constant 0 : i32
        %dma_wait3A_154 = tpu.memref_slice %arg11[%dma_wait3A_151, %dma_wait3A_152, %dma_wait3A_153] : memref<2x128x128xf32, #tpu.memory_space<vmem>> -> memref<1x128x128xf32, #tpu.memory_space<vmem>>
        %dma_wait3A_155 = tpu.memref_squeeze %dma_wait3A_154 : memref<1x128x128xf32, #tpu.memory_space<vmem>> -> memref<128x128xf32, #tpu.memory_space<vmem>>
        %dma_wait3A_156 = arith.constant 0 : i32
        %dma_wait3A_157 = arith.constant 0 : i32
        %dma_wait3A_158 = tpu.memref_slice %arg2[%dma_wait3A_156, %dma_wait3A_157] : memref<10240x128xf32, #tpu.memory_space<hbm>> -> memref<128x128xf32, #tpu.memory_space<hbm>>
        %dma_wait3A_159 = arith.constant 0 : i32
        %dma_wait3A_160 = arith.constant 0 : i32
        %dma_wait3A_161 = tpu.memref_slice %arg11[%dma_wait3A_151, %dma_wait3A_159, %dma_wait3A_160] : memref<2x128x128xf32, #tpu.memory_space<vmem>> -> memref<1x128x128xf32, #tpu.memory_space<vmem>>
        %dma_wait3A_162 = tpu.memref_squeeze %dma_wait3A_161 : memref<1x128x128xf32, #tpu.memory_space<vmem>> -> memref<128x128xf32, #tpu.memory_space<vmem>>
        %dma_wait3A_163 = arith.constant 0 : i32
        %dma_wait3A_164 = arith.constant 0 : i32
        %dma_wait3A_165 = tpu.memref_slice %arg2[%dma_wait3A_163, %dma_wait3A_164] : memref<10240x128xf32, #tpu.memory_space<hbm>> -> memref<128x128xf32, #tpu.memory_space<hbm>>
        tpu.wait_dma2 semaphore(%arg15 : memref<!tpu.dma_semaphore, #tpu.memory_space<semaphore_mem>>) src(%dma_wait3A_165 : memref<128x128xf32, #tpu.memory_space<hbm>>) dst(%dma_wait3A_162 : memref<128x128xf32, #tpu.memory_space<vmem>>)
        %run_scoped3A_166 = arith.constant 1 : i32
        %run_scoped3A_167 = arith.constant 1 : i32
        %run_scoped3A_168 = arith.constant 1 : i32
        "tpu.region"() ({
          %run_scoped3A_176 = tpu.sem_alloc : memref<!tpu.dma_semaphore, #tpu.memory_space<semaphore_mem>>
          %dma_start3A_177 = arith.constant 0 : i32
          %dma_start3A_178 = arith.constant 0 : i32
          %dma_start3A_179 = tpu.memref_slice %arg11[%run_scoped3A_166, %dma_start3A_177, %dma_start3A_178] : memref<2x128x128xf32, #tpu.memory_space<vmem>> -> memref<1x128x128xf32, #tpu.memory_space<vmem>>
          %dma_start3A_180 = tpu.memref_squeeze %dma_start3A_179 : memref<1x128x128xf32, #tpu.memory_space<vmem>> -> memref<128x128xf32, #tpu.memory_space<vmem>>
          %dma_start3A_181 = arith.constant 0 : i32
          %dma_start3A_182 = tpu.memref_slice %arg10[%run_scoped3A_167, %run_scoped3A_168, %dma_start3A_181] : memref<2x2x128xi32, #tpu.memory_space<vmem>> -> memref<1x1x128xi32, #tpu.memory_space<vmem>>
          %dma_start3A_183 = tpu.memref_squeeze %dma_start3A_182 : memref<1x1x128xi32, #tpu.memory_space<vmem>> -> memref<128xi32, #tpu.memory_space<vmem>>
          %dma_start3A_184 = arith.constant 0 : i32
          %dma_start3A_185 = arith.constant 0 : i32
          %dma_start3A_186 = tpu.memref_slice %arg9[%dma_start3A_184, %dma_start3A_185] : memref<10240x128xf32, #tpu.memory_space<vmem_shared>> -> memref<10240x128xf32, #tpu.memory_space<vmem_shared>>
          tpu.enqueue_indirect_dma source(%dma_start3A_180 : memref<128x128xf32, #tpu.memory_space<vmem>>) target(%dma_start3A_186 : memref<10240x128xf32, #tpu.memory_space<vmem_shared>>) offsets(%dma_start3A_183 : memref<128xi32, #tpu.memory_space<vmem>>) semaphore(%run_scoped3A_176 : memref<!tpu.dma_semaphore, #tpu.memory_space<semaphore_mem>>) {add = true}
          %dma_wait3A_187 = arith.constant 0 : i32
          %dma_wait3A_188 = arith.constant 0 : i32
          %dma_wait3A_189 = tpu.memref_slice %arg11[%run_scoped3A_166, %dma_wait3A_187, %dma_wait3A_188] : memref<2x128x128xf32, #tpu.memory_space<vmem>> -> memref<1x128x128xf32, #tpu.memory_space<vmem>>
          %dma_wait3A_190 = tpu.memref_squeeze %dma_wait3A_189 : memref<1x128x128xf32, #tpu.memory_space<vmem>> -> memref<128x128xf32, #tpu.memory_space<vmem>>
          %dma_wait3A_191 = arith.constant 0 : i32
          %dma_wait3A_192 = tpu.memref_slice %arg10[%run_scoped3A_167, %run_scoped3A_168, %dma_wait3A_191] : memref<2x2x128xi32, #tpu.memory_space<vmem>> -> memref<1x1x128xi32, #tpu.memory_space<vmem>>
          %dma_wait3A_193 = tpu.memref_squeeze %dma_wait3A_192 : memref<1x1x128xi32, #tpu.memory_space<vmem>> -> memref<128xi32, #tpu.memory_space<vmem>>
          %dma_wait3A_194 = arith.constant 0 : i32
          %dma_wait3A_195 = arith.constant 0 : i32
          %dma_wait3A_196 = tpu.memref_slice %arg9[%dma_wait3A_194, %dma_wait3A_195] : memref<10240x128xf32, #tpu.memory_space<vmem_shared>> -> memref<10240x128xf32, #tpu.memory_space<vmem_shared>>
          tpu.wait_indirect_dma semaphore(%run_scoped3A_176 : memref<!tpu.dma_semaphore, #tpu.memory_space<semaphore_mem>>) src(%dma_wait3A_190 : memref<128x128xf32, #tpu.memory_space<vmem>>) dst(%dma_wait3A_196 : memref<10240x128xf32, #tpu.memory_space<vmem_shared>>)
          tpu.yield
        }) : () -> ()
        %run_scoped3A_169 = arith.constant 1 : i32
        %run_scoped3A_170 = arith.constant 1 : i32
        "tpu.region"() ({
          %run_scoped3A_176 = tpu.sem_alloc : memref<!tpu.dma_semaphore, #tpu.memory_space<semaphore_mem>>
          %dma_start3A_177 = arith.constant 0 : i32
          %dma_start3A_178 = tpu.memref_slice %arg10[%run_scoped3A_169, %run_scoped3A_170, %dma_start3A_177] : memref<2x2x128xi32, #tpu.memory_space<vmem>> -> memref<1x1x128xi32, #tpu.memory_space<vmem>>
          %dma_start3A_179 = tpu.memref_squeeze %dma_start3A_178 : memref<1x1x128xi32, #tpu.memory_space<vmem>> -> memref<128xi32, #tpu.memory_space<vmem>>
          %dma_start3A_180 = arith.constant 0 : i32
          %dma_start3A_181 = tpu.memref_slice %arg16[%dma_start3A_180] : memref<10240xf32, #tpu.memory_space<vmem_shared>> -> memref<10240xf32, #tpu.memory_space<vmem_shared>>
          tpu.enqueue_indirect_dma source(%arg17 : memref<128xf32, #tpu.memory_space<vmem>>) target(%dma_start3A_181 : memref<10240xf32, #tpu.memory_space<vmem_shared>>) offsets(%dma_start3A_179 : memref<128xi32, #tpu.memory_space<vmem>>) semaphore(%run_scoped3A_176 : memref<!tpu.dma_semaphore, #tpu.memory_space<semaphore_mem>>) {add = true}
          %dma_wait3A_182 = arith.constant 0 : i32
          %dma_wait3A_183 = tpu.memref_slice %arg10[%run_scoped3A_169, %run_scoped3A_170, %dma_wait3A_182] : memref<2x2x128xi32, #tpu.memory_space<vmem>> -> memref<1x1x128xi32, #tpu.memory_space<vmem>>
          %dma_wait3A_184 = tpu.memref_squeeze %dma_wait3A_183 : memref<1x1x128xi32, #tpu.memory_space<vmem>> -> memref<128xi32, #tpu.memory_space<vmem>>
          %dma_wait3A_185 = arith.constant 0 : i32
          %dma_wait3A_186 = tpu.memref_slice %arg16[%dma_wait3A_185] : memref<10240xf32, #tpu.memory_space<vmem_shared>> -> memref<10240xf32, #tpu.memory_space<vmem_shared>>
          tpu.wait_indirect_dma semaphore(%run_scoped3A_176 : memref<!tpu.dma_semaphore, #tpu.memory_space<semaphore_mem>>) src(%arg17 : memref<128xf32, #tpu.memory_space<vmem>>) dst(%dma_wait3A_186 : memref<10240xf32, #tpu.memory_space<vmem_shared>>)
          tpu.yield
        }) : () -> ()
        %lt3A_171 = arith.constant 16 : i32
        %lt3A_172 = arith.cmpi slt, %scan3A_64, %lt3A_171 : i32
        %convert_element_type3A_173 = arith.extui %lt3A_172 : i1 to i32
        %cond3A_174 = arith.constant 0 : i32
        %cond3A_175 = arith.cmpi ne, %convert_element_type3A_173, %cond3A_174 : i32
        scf.if %cond3A_175 {
          %add3A_176 = arith.constant 3 : i32
          %add3A_177 = arith.addi %mul3A_66, %add3A_176 : i32
          %add3A_178 = arith.addi %add3A_21, %add3A_177 : i32
          %dma_start3A_179 = arith.constant 1 : i32
          %dma_start3A_180 = arith.constant 0 : i32
          %dma_start3A_181 = arith.constant 0 : i32
          %dma_start3A_182 = tpu.memref_slice %arg10[%dma_start3A_179, %dma_start3A_180, %dma_start3A_181] : memref<2x2x128xi32, #tpu.memory_space<vmem>> -> memref<1x2x128xi32, #tpu.memory_space<vmem>>
          %dma_start3A_183 = tpu.memref_squeeze %dma_start3A_182 : memref<1x2x128xi32, #tpu.memory_space<vmem>> -> memref<2x128xi32, #tpu.memory_space<vmem>>
          %dma_start3A_184 = arith.constant 0 : i32
          %dma_start3A_185 = arith.constant 0 : i32
          %dma_start3A_186 = tpu.memref_slice %arg3[%add3A_178, %dma_start3A_184, %dma_start3A_185] : memref<2528x2x128xi32, #tpu.memory_space<hbm>> -> memref<1x2x128xi32, #tpu.memory_space<hbm>>
          %dma_start3A_187 = tpu.memref_squeeze %dma_start3A_186 : memref<1x2x128xi32, #tpu.memory_space<hbm>> -> memref<2x128xi32, #tpu.memory_space<hbm>>
          %dma_start3A_188 = arith.constant 0 : i32
          %dma_start3A_189 = arith.constant 0 : i32
          %dma_start3A_190 = tpu.memref_slice %arg10[%dma_start3A_179, %dma_start3A_188, %dma_start3A_189] : memref<2x2x128xi32, #tpu.memory_space<vmem>> -> memref<1x2x128xi32, #tpu.memory_space<vmem>>
          %dma_start3A_191 = tpu.memref_squeeze %dma_start3A_190 : memref<1x2x128xi32, #tpu.memory_space<vmem>> -> memref<2x128xi32, #tpu.memory_space<vmem>>
          %dma_start3A_192 = arith.constant 0 : i32
          %dma_start3A_193 = arith.constant 0 : i32
          %dma_start3A_194 = tpu.memref_slice %arg3[%add3A_178, %dma_start3A_192, %dma_start3A_193] : memref<2528x2x128xi32, #tpu.memory_space<hbm>> -> memref<1x2x128xi32, #tpu.memory_space<hbm>>
          %dma_start3A_195 = tpu.memref_squeeze %dma_start3A_194 : memref<1x2x128xi32, #tpu.memory_space<hbm>> -> memref<2x128xi32, #tpu.memory_space<hbm>>
          tpu.enqueue_dma source(%dma_start3A_195 : memref<2x128xi32, #tpu.memory_space<hbm>>) target(%dma_start3A_191 : memref<2x128xi32, #tpu.memory_space<vmem>>) target_semaphore(%arg13 : memref<!tpu.dma_semaphore, #tpu.memory_space<semaphore_mem>>)
        } else {
        }
      }
      %scan3A_63 = arith.constant 17 : i32
    } else {
    }
    %barrier3A_10 = arith.constant 0 : index
    tpu.barrier barrier_id(%barrier3A_10)
    %mul3A_11 = arith.constant 640 : i32
    %mul3A_12 = arith.muli %arg1, %mul3A_11 : i32
    %mul3A_13 = arith.constant 640 : i32
    %mul3A_14 = arith.muli %arg1, %mul3A_13 : i32
    "tpu.region"() ({
      %run_scoped3A = tpu.sem_alloc : memref<!tpu.dma_semaphore, #tpu.memory_space<semaphore_mem>>
      %dma_start3A = arith.constant 0 : i32
      %dma_start3A_19 = tpu.memref_slice %arg7[%arg0, %mul3A_14, %dma_start3A] : memref<2x10240x128xf32, #tpu.memory_space<hbm>> -> memref<1x640x128xf32, #tpu.memory_space<hbm>>
      %dma_start3A_20 = tpu.memref_squeeze %dma_start3A_19 : memref<1x640x128xf32, #tpu.memory_space<hbm>> -> memref<640x128xf32, #tpu.memory_space<hbm>>
      %dma_start3A_21 = arith.constant 0 : i32
      %dma_start3A_22 = tpu.memref_slice %arg9[%mul3A_12, %dma_start3A_21] : memref<10240x128xf32, #tpu.memory_space<vmem_shared>> -> memref<640x128xf32, #tpu.memory_space<vmem_shared>>
      tpu.enqueue_dma source(%dma_start3A_22 : memref<640x128xf32, #tpu.memory_space<vmem_shared>>) target(%dma_start3A_20 : memref<640x128xf32, #tpu.memory_space<hbm>>) target_semaphore(%run_scoped3A : memref<!tpu.dma_semaphore, #tpu.memory_space<semaphore_mem>>)
      %dma_wait3A = arith.constant 0 : i32
      %dma_wait3A_23 = tpu.memref_slice %arg7[%arg0, %mul3A_14, %dma_wait3A] : memref<2x10240x128xf32, #tpu.memory_space<hbm>> -> memref<1x640x128xf32, #tpu.memory_space<hbm>>
      %dma_wait3A_24 = tpu.memref_squeeze %dma_wait3A_23 : memref<1x640x128xf32, #tpu.memory_space<hbm>> -> memref<640x128xf32, #tpu.memory_space<hbm>>
      %dma_wait3A_25 = arith.constant 0 : i32
      %dma_wait3A_26 = tpu.memref_slice %arg9[%mul3A_12, %dma_wait3A_25] : memref<10240x128xf32, #tpu.memory_space<vmem_shared>> -> memref<640x128xf32, #tpu.memory_space<vmem_shared>>
      tpu.wait_dma2 semaphore(%run_scoped3A : memref<!tpu.dma_semaphore, #tpu.memory_space<semaphore_mem>>) src(%dma_wait3A_26 : memref<640x128xf32, #tpu.memory_space<vmem_shared>>) dst(%dma_wait3A_24 : memref<640x128xf32, #tpu.memory_space<hbm>>)
      tpu.yield
    }) : () -> ()
    %mul3A_15 = arith.constant 640 : i32
    %mul3A_16 = arith.muli %arg1, %mul3A_15 : i32
    %mul3A_17 = arith.constant 640 : i32
    %mul3A_18 = arith.muli %arg1, %mul3A_17 : i32
    "tpu.region"() ({
      %run_scoped3A = tpu.sem_alloc : memref<!tpu.dma_semaphore, #tpu.memory_space<semaphore_mem>>
      %dma_start3A = tpu.memref_slice %arg8[%arg0, %mul3A_18] : memref<2x10240xf32, #tpu.memory_space<hbm>> -> memref<1x640xf32, #tpu.memory_space<hbm>>
      %dma_start3A_19 = tpu.memref_squeeze %dma_start3A : memref<1x640xf32, #tpu.memory_space<hbm>> -> memref<640xf32, #tpu.memory_space<hbm>>
      %dma_start3A_20 = tpu.memref_slice %arg16[%mul3A_16] : memref<10240xf32, #tpu.memory_space<vmem_shared>> -> memref<640xf32, #tpu.memory_space<vmem_shared>>
      tpu.enqueue_dma source(%dma_start3A_20 : memref<640xf32, #tpu.memory_space<vmem_shared>>) target(%dma_start3A_19 : memref<640xf32, #tpu.memory_space<hbm>>) target_semaphore(%run_scoped3A : memref<!tpu.dma_semaphore, #tpu.memory_space<semaphore_mem>>)
      %dma_wait3A = tpu.memref_slice %arg8[%arg0, %mul3A_18] : memref<2x10240xf32, #tpu.memory_space<hbm>> -> memref<1x640xf32, #tpu.memory_space<hbm>>
      %dma_wait3A_21 = tpu.memref_squeeze %dma_wait3A : memref<1x640xf32, #tpu.memory_space<hbm>> -> memref<640xf32, #tpu.memory_space<hbm>>
      %dma_wait3A_22 = tpu.memref_slice %arg16[%mul3A_16] : memref<10240xf32, #tpu.memory_space<vmem_shared>> -> memref<640xf32, #tpu.memory_space<vmem_shared>>
      tpu.wait_dma2 semaphore(%run_scoped3A : memref<!tpu.dma_semaphore, #tpu.memory_space<semaphore_mem>>) src(%dma_wait3A_22 : memref<640xf32, #tpu.memory_space<vmem_shared>>) dst(%dma_wait3A_21 : memref<640xf32, #tpu.memory_space<hbm>>)
      tpu.yield
    }) : () -> ()
    return
  }
}

#map = affine_map<(d0, d1) -> (0, 0)>
#map1 = affine_map<(d0, d1) -> (0, 0, 0)>
module attributes {stable_mosaic.version = 14 : i64} {
  func.func @body(%arg0: i32, %arg1: i32, %arg2: memref<10240x128xf32, #tpu.memory_space<hbm>>, %arg3: memref<2528x2x128xi32, #tpu.memory_space<hbm>>, %arg4: memref<640x128xf32, #tpu.memory_space<hbm>>, %arg5: memref<2x10240x128xf32, #tpu.memory_space<hbm>>, %arg6: memref<10240x128xf32, #tpu.memory_space<vmem_shared>>, %arg7: memref<2x2x128xi32, #tpu.memory_space<vmem>>, %arg8: memref<2x128x128xf32, #tpu.memory_space<vmem>>, %arg9: memref<!tpu.dma_semaphore, #tpu.memory_space<semaphore_mem>>, %arg10: memref<!tpu.dma_semaphore, #tpu.memory_space<semaphore_mem>>, %arg11: memref<!tpu.dma_semaphore, #tpu.memory_space<semaphore_mem>>, %arg12: memref<!tpu.dma_semaphore, #tpu.memory_space<semaphore_mem>>) attributes {dimension_semantics = [#tpu.dimension_semantics<core_parallel>, #tpu.dimension_semantics<subcore_parallel>], iteration_bounds = array<i64: 2, 16>, scalar_prefetch = 0 : i64, scratch_operands = 7 : i64, tpu.core_type = #tpu.core_type<sc_vector_subcore>, window_params = [{transform_indices = #map}, {transform_indices = #map1}, {transform_indices = #map}, {transform_indices = #map1}]} {
    %mul3A = arith.constant 640 : i32
    %mul3A_0 = arith.muli %arg1, %mul3A : i32
    "tpu.region"() ({
      %run_scoped3A = tpu.sem_alloc : memref<!tpu.dma_semaphore, #tpu.memory_space<semaphore_mem>>
      %dma_start3A = arith.constant 0 : i32
      %dma_start3A_13 = tpu.memref_slice %arg6[%mul3A_0, %dma_start3A] : memref<10240x128xf32, #tpu.memory_space<vmem_shared>> -> memref<640x128xf32, #tpu.memory_space<vmem_shared>>
      tpu.enqueue_dma source(%arg4 : memref<640x128xf32, #tpu.memory_space<hbm>>) target(%dma_start3A_13 : memref<640x128xf32, #tpu.memory_space<vmem_shared>>) target_semaphore(%run_scoped3A : memref<!tpu.dma_semaphore, #tpu.memory_space<semaphore_mem>>)
      %dma_wait3A = arith.constant 0 : i32
      %dma_wait3A_14 = tpu.memref_slice %arg6[%mul3A_0, %dma_wait3A] : memref<10240x128xf32, #tpu.memory_space<vmem_shared>> -> memref<640x128xf32, #tpu.memory_space<vmem_shared>>
      tpu.wait_dma2 semaphore(%run_scoped3A : memref<!tpu.dma_semaphore, #tpu.memory_space<semaphore_mem>>) src(%arg4 : memref<640x128xf32, #tpu.memory_space<hbm>>) dst(%dma_wait3A_14 : memref<640x128xf32, #tpu.memory_space<vmem_shared>>)
      tpu.yield
    }) : () -> ()
    %barrier3A = arith.constant 0 : index
    tpu.barrier barrier_id(%barrier3A)
    %eq3A = arith.constant 0 : i32
    %eq3A_1 = arith.cmpi eq, %arg0, %eq3A : i32
    %convert_element_type3A = arith.extui %eq3A_1 : i1 to i32
    %cond3A = arith.constant 0 : i32
    %cond3A_2 = arith.cmpi ne, %convert_element_type3A, %cond3A : i32
    scf.if %cond3A_2 {
      %mul3A_13 = arith.constant 124 : i32
      %mul3A_14 = arith.muli %arg1, %mul3A_13 : i32
      %add3A = arith.constant 0 : i32
      %add3A_15 = arith.addi %mul3A_14, %add3A : i32
      %dma_start3A = arith.constant 0 : i32
      %dma_start3A_16 = arith.constant 0 : i32
      %dma_start3A_17 = arith.constant 0 : i32
      %dma_start3A_18 = tpu.memref_slice %arg7[%dma_start3A, %dma_start3A_16, %dma_start3A_17] : memref<2x2x128xi32, #tpu.memory_space<vmem>> -> memref<1x2x128xi32, #tpu.memory_space<vmem>>
      %dma_start3A_19 = tpu.memref_squeeze %dma_start3A_18 : memref<1x2x128xi32, #tpu.memory_space<vmem>> -> memref<2x128xi32, #tpu.memory_space<vmem>>
      %dma_start3A_20 = arith.constant 0 : i32
      %dma_start3A_21 = arith.constant 0 : i32
      %dma_start3A_22 = tpu.memref_slice %arg3[%add3A_15, %dma_start3A_20, %dma_start3A_21] : memref<2528x2x128xi32, #tpu.memory_space<hbm>> -> memref<1x2x128xi32, #tpu.memory_space<hbm>>
      %dma_start3A_23 = tpu.memref_squeeze %dma_start3A_22 : memref<1x2x128xi32, #tpu.memory_space<hbm>> -> memref<2x128xi32, #tpu.memory_space<hbm>>
      %dma_start3A_24 = arith.constant 0 : i32
      %dma_start3A_25 = arith.constant 0 : i32
      %dma_start3A_26 = tpu.memref_slice %arg7[%dma_start3A, %dma_start3A_24, %dma_start3A_25] : memref<2x2x128xi32, #tpu.memory_space<vmem>> -> memref<1x2x128xi32, #tpu.memory_space<vmem>>
      %dma_start3A_27 = tpu.memref_squeeze %dma_start3A_26 : memref<1x2x128xi32, #tpu.memory_space<vmem>> -> memref<2x128xi32, #tpu.memory_space<vmem>>
      %dma_start3A_28 = arith.constant 0 : i32
      %dma_start3A_29 = arith.constant 0 : i32
      %dma_start3A_30 = tpu.memref_slice %arg3[%add3A_15, %dma_start3A_28, %dma_start3A_29] : memref<2528x2x128xi32, #tpu.memory_space<hbm>> -> memref<1x2x128xi32, #tpu.memory_space<hbm>>
      %dma_start3A_31 = tpu.memref_squeeze %dma_start3A_30 : memref<1x2x128xi32, #tpu.memory_space<hbm>> -> memref<2x128xi32, #tpu.memory_space<hbm>>
      tpu.enqueue_dma source(%dma_start3A_31 : memref<2x128xi32, #tpu.memory_space<hbm>>) target(%dma_start3A_27 : memref<2x128xi32, #tpu.memory_space<vmem>>) target_semaphore(%arg9 : memref<!tpu.dma_semaphore, #tpu.memory_space<semaphore_mem>>)
      %add3A_32 = arith.constant 1 : i32
      %add3A_33 = arith.addi %mul3A_14, %add3A_32 : i32
      %dma_start3A_34 = arith.constant 1 : i32
      %dma_start3A_35 = arith.constant 0 : i32
      %dma_start3A_36 = arith.constant 0 : i32
      %dma_start3A_37 = tpu.memref_slice %arg7[%dma_start3A_34, %dma_start3A_35, %dma_start3A_36] : memref<2x2x128xi32, #tpu.memory_space<vmem>> -> memref<1x2x128xi32, #tpu.memory_space<vmem>>
      %dma_start3A_38 = tpu.memref_squeeze %dma_start3A_37 : memref<1x2x128xi32, #tpu.memory_space<vmem>> -> memref<2x128xi32, #tpu.memory_space<vmem>>
      %dma_start3A_39 = arith.constant 0 : i32
      %dma_start3A_40 = arith.constant 0 : i32
      %dma_start3A_41 = tpu.memref_slice %arg3[%add3A_33, %dma_start3A_39, %dma_start3A_40] : memref<2528x2x128xi32, #tpu.memory_space<hbm>> -> memref<1x2x128xi32, #tpu.memory_space<hbm>>
      %dma_start3A_42 = tpu.memref_squeeze %dma_start3A_41 : memref<1x2x128xi32, #tpu.memory_space<hbm>> -> memref<2x128xi32, #tpu.memory_space<hbm>>
      %dma_start3A_43 = arith.constant 0 : i32
      %dma_start3A_44 = arith.constant 0 : i32
      %dma_start3A_45 = tpu.memref_slice %arg7[%dma_start3A_34, %dma_start3A_43, %dma_start3A_44] : memref<2x2x128xi32, #tpu.memory_space<vmem>> -> memref<1x2x128xi32, #tpu.memory_space<vmem>>
      %dma_start3A_46 = tpu.memref_squeeze %dma_start3A_45 : memref<1x2x128xi32, #tpu.memory_space<vmem>> -> memref<2x128xi32, #tpu.memory_space<vmem>>
      %dma_start3A_47 = arith.constant 0 : i32
      %dma_start3A_48 = arith.constant 0 : i32
      %dma_start3A_49 = tpu.memref_slice %arg3[%add3A_33, %dma_start3A_47, %dma_start3A_48] : memref<2528x2x128xi32, #tpu.memory_space<hbm>> -> memref<1x2x128xi32, #tpu.memory_space<hbm>>
      %dma_start3A_50 = tpu.memref_squeeze %dma_start3A_49 : memref<1x2x128xi32, #tpu.memory_space<hbm>> -> memref<2x128xi32, #tpu.memory_space<hbm>>
      tpu.enqueue_dma source(%dma_start3A_50 : memref<2x128xi32, #tpu.memory_space<hbm>>) target(%dma_start3A_46 : memref<2x128xi32, #tpu.memory_space<vmem>>) target_semaphore(%arg10 : memref<!tpu.dma_semaphore, #tpu.memory_space<semaphore_mem>>)
      %scan3A = arith.constant 0 : i32
      %scan3A_51 = arith.constant 0 : i32
      %scan3A_52 = arith.constant 62 : i32
      %scan3A_53 = arith.addi %scan3A_51, %scan3A_52 : i32
      %scan3A_54 = arith.constant 1 : i32
      scf.for %scan3A_56 = %scan3A_51 to %scan3A_53 step %scan3A_54  : i32 {
        %mul3A_57 = arith.constant 2 : i32
        %mul3A_58 = arith.muli %mul3A_57, %scan3A_56 : i32
        %dma_wait3A = arith.constant 0 : i32
        %dma_wait3A_59 = arith.constant 0 : i32
        %dma_wait3A_60 = arith.constant 0 : i32
        %dma_wait3A_61 = arith.constant 0 : i32
        %dma_wait3A_62 = tpu.memref_slice %arg7[%dma_wait3A_59, %dma_wait3A_60, %dma_wait3A_61] : memref<2x2x128xi32, #tpu.memory_space<vmem>> -> memref<1x2x128xi32, #tpu.memory_space<vmem>>
        %dma_wait3A_63 = tpu.memref_squeeze %dma_wait3A_62 : memref<1x2x128xi32, #tpu.memory_space<vmem>> -> memref<2x128xi32, #tpu.memory_space<vmem>>
        %dma_wait3A_64 = arith.constant 0 : i32
        %dma_wait3A_65 = arith.constant 0 : i32
        %dma_wait3A_66 = tpu.memref_slice %arg3[%dma_wait3A, %dma_wait3A_64, %dma_wait3A_65] : memref<2528x2x128xi32, #tpu.memory_space<hbm>> -> memref<1x2x128xi32, #tpu.memory_space<hbm>>
        %dma_wait3A_67 = tpu.memref_squeeze %dma_wait3A_66 : memref<1x2x128xi32, #tpu.memory_space<hbm>> -> memref<2x128xi32, #tpu.memory_space<hbm>>
        %dma_wait3A_68 = arith.constant 0 : i32
        %dma_wait3A_69 = arith.constant 0 : i32
        %dma_wait3A_70 = tpu.memref_slice %arg7[%dma_wait3A_59, %dma_wait3A_68, %dma_wait3A_69] : memref<2x2x128xi32, #tpu.memory_space<vmem>> -> memref<1x2x128xi32, #tpu.memory_space<vmem>>
        %dma_wait3A_71 = tpu.memref_squeeze %dma_wait3A_70 : memref<1x2x128xi32, #tpu.memory_space<vmem>> -> memref<2x128xi32, #tpu.memory_space<vmem>>
        %dma_wait3A_72 = arith.constant 0 : i32
        %dma_wait3A_73 = arith.constant 0 : i32
        %dma_wait3A_74 = tpu.memref_slice %arg3[%dma_wait3A, %dma_wait3A_72, %dma_wait3A_73] : memref<2528x2x128xi32, #tpu.memory_space<hbm>> -> memref<1x2x128xi32, #tpu.memory_space<hbm>>
        %dma_wait3A_75 = tpu.memref_squeeze %dma_wait3A_74 : memref<1x2x128xi32, #tpu.memory_space<hbm>> -> memref<2x128xi32, #tpu.memory_space<hbm>>
        tpu.wait_dma2 semaphore(%arg9 : memref<!tpu.dma_semaphore, #tpu.memory_space<semaphore_mem>>) src(%dma_wait3A_75 : memref<2x128xi32, #tpu.memory_space<hbm>>) dst(%dma_wait3A_71 : memref<2x128xi32, #tpu.memory_space<vmem>>)
        %dma_start3A_76 = arith.constant 0 : i32
        %dma_start3A_77 = arith.constant 0 : i32
        %dma_start3A_78 = arith.constant 0 : i32
        %dma_start3A_79 = arith.constant 0 : i32
        %dma_start3A_80 = arith.constant 0 : i32
        %dma_start3A_81 = tpu.memref_slice %arg8[%dma_start3A_78, %dma_start3A_79, %dma_start3A_80] : memref<2x128x128xf32, #tpu.memory_space<vmem>> -> memref<1x128x128xf32, #tpu.memory_space<vmem>>
        %dma_start3A_82 = tpu.memref_squeeze %dma_start3A_81 : memref<1x128x128xf32, #tpu.memory_space<vmem>> -> memref<128x128xf32, #tpu.memory_space<vmem>>
        %dma_start3A_83 = arith.constant 0 : i32
        %dma_start3A_84 = tpu.memref_slice %arg7[%dma_start3A_76, %dma_start3A_77, %dma_start3A_83] : memref<2x2x128xi32, #tpu.memory_space<vmem>> -> memref<1x1x128xi32, #tpu.memory_space<vmem>>
        %dma_start3A_85 = tpu.memref_squeeze %dma_start3A_84 : memref<1x1x128xi32, #tpu.memory_space<vmem>> -> memref<128xi32, #tpu.memory_space<vmem>>
        %dma_start3A_86 = arith.constant 0 : i32
        %dma_start3A_87 = arith.constant 0 : i32
        %dma_start3A_88 = tpu.memref_slice %arg2[%dma_start3A_86, %dma_start3A_87] : memref<10240x128xf32, #tpu.memory_space<hbm>> -> memref<10240x128xf32, #tpu.memory_space<hbm>>
        tpu.enqueue_indirect_dma source(%dma_start3A_88 : memref<10240x128xf32, #tpu.memory_space<hbm>>) target(%dma_start3A_82 : memref<128x128xf32, #tpu.memory_space<vmem>>) offsets(%dma_start3A_85 : memref<128xi32, #tpu.memory_space<vmem>>) semaphore(%arg11 : memref<!tpu.dma_semaphore, #tpu.memory_space<semaphore_mem>>)
        %dma_wait3A_89 = arith.constant 0 : i32
        %dma_wait3A_90 = arith.constant 1 : i32
        %dma_wait3A_91 = arith.constant 0 : i32
        %dma_wait3A_92 = arith.constant 0 : i32
        %dma_wait3A_93 = tpu.memref_slice %arg7[%dma_wait3A_90, %dma_wait3A_91, %dma_wait3A_92] : memref<2x2x128xi32, #tpu.memory_space<vmem>> -> memref<1x2x128xi32, #tpu.memory_space<vmem>>
        %dma_wait3A_94 = tpu.memref_squeeze %dma_wait3A_93 : memref<1x2x128xi32, #tpu.memory_space<vmem>> -> memref<2x128xi32, #tpu.memory_space<vmem>>
        %dma_wait3A_95 = arith.constant 0 : i32
        %dma_wait3A_96 = arith.constant 0 : i32
        %dma_wait3A_97 = tpu.memref_slice %arg3[%dma_wait3A_89, %dma_wait3A_95, %dma_wait3A_96] : memref<2528x2x128xi32, #tpu.memory_space<hbm>> -> memref<1x2x128xi32, #tpu.memory_space<hbm>>
        %dma_wait3A_98 = tpu.memref_squeeze %dma_wait3A_97 : memref<1x2x128xi32, #tpu.memory_space<hbm>> -> memref<2x128xi32, #tpu.memory_space<hbm>>
        %dma_wait3A_99 = arith.constant 0 : i32
        %dma_wait3A_100 = arith.constant 0 : i32
        %dma_wait3A_101 = tpu.memref_slice %arg7[%dma_wait3A_90, %dma_wait3A_99, %dma_wait3A_100] : memref<2x2x128xi32, #tpu.memory_space<vmem>> -> memref<1x2x128xi32, #tpu.memory_space<vmem>>
        %dma_wait3A_102 = tpu.memref_squeeze %dma_wait3A_101 : memref<1x2x128xi32, #tpu.memory_space<vmem>> -> memref<2x128xi32, #tpu.memory_space<vmem>>
        %dma_wait3A_103 = arith.constant 0 : i32
        %dma_wait3A_104 = arith.constant 0 : i32
        %dma_wait3A_105 = tpu.memref_slice %arg3[%dma_wait3A_89, %dma_wait3A_103, %dma_wait3A_104] : memref<2528x2x128xi32, #tpu.memory_space<hbm>> -> memref<1x2x128xi32, #tpu.memory_space<hbm>>
        %dma_wait3A_106 = tpu.memref_squeeze %dma_wait3A_105 : memref<1x2x128xi32, #tpu.memory_space<hbm>> -> memref<2x128xi32, #tpu.memory_space<hbm>>
        tpu.wait_dma2 semaphore(%arg10 : memref<!tpu.dma_semaphore, #tpu.memory_space<semaphore_mem>>) src(%dma_wait3A_106 : memref<2x128xi32, #tpu.memory_space<hbm>>) dst(%dma_wait3A_102 : memref<2x128xi32, #tpu.memory_space<vmem>>)
        %dma_start3A_107 = arith.constant 1 : i32
        %dma_start3A_108 = arith.constant 0 : i32
        %dma_start3A_109 = arith.constant 1 : i32
        %dma_start3A_110 = arith.constant 0 : i32
        %dma_start3A_111 = arith.constant 0 : i32
        %dma_start3A_112 = tpu.memref_slice %arg8[%dma_start3A_109, %dma_start3A_110, %dma_start3A_111] : memref<2x128x128xf32, #tpu.memory_space<vmem>> -> memref<1x128x128xf32, #tpu.memory_space<vmem>>
        %dma_start3A_113 = tpu.memref_squeeze %dma_start3A_112 : memref<1x128x128xf32, #tpu.memory_space<vmem>> -> memref<128x128xf32, #tpu.memory_space<vmem>>
        %dma_start3A_114 = arith.constant 0 : i32
        %dma_start3A_115 = tpu.memref_slice %arg7[%dma_start3A_107, %dma_start3A_108, %dma_start3A_114] : memref<2x2x128xi32, #tpu.memory_space<vmem>> -> memref<1x1x128xi32, #tpu.memory_space<vmem>>
        %dma_start3A_116 = tpu.memref_squeeze %dma_start3A_115 : memref<1x1x128xi32, #tpu.memory_space<vmem>> -> memref<128xi32, #tpu.memory_space<vmem>>
        %dma_start3A_117 = arith.constant 0 : i32
        %dma_start3A_118 = arith.constant 0 : i32
        %dma_start3A_119 = tpu.memref_slice %arg2[%dma_start3A_117, %dma_start3A_118] : memref<10240x128xf32, #tpu.memory_space<hbm>> -> memref<10240x128xf32, #tpu.memory_space<hbm>>
        tpu.enqueue_indirect_dma source(%dma_start3A_119 : memref<10240x128xf32, #tpu.memory_space<hbm>>) target(%dma_start3A_113 : memref<128x128xf32, #tpu.memory_space<vmem>>) offsets(%dma_start3A_116 : memref<128xi32, #tpu.memory_space<vmem>>) semaphore(%arg12 : memref<!tpu.dma_semaphore, #tpu.memory_space<semaphore_mem>>)
        %dma_wait3A_120 = arith.constant 0 : i32
        %dma_wait3A_121 = arith.constant 0 : i32
        %dma_wait3A_122 = arith.constant 0 : i32
        %dma_wait3A_123 = tpu.memref_slice %arg8[%dma_wait3A_120, %dma_wait3A_121, %dma_wait3A_122] : memref<2x128x128xf32, #tpu.memory_space<vmem>> -> memref<1x128x128xf32, #tpu.memory_space<vmem>>
        %dma_wait3A_124 = tpu.memref_squeeze %dma_wait3A_123 : memref<1x128x128xf32, #tpu.memory_space<vmem>> -> memref<128x128xf32, #tpu.memory_space<vmem>>
        %dma_wait3A_125 = arith.constant 0 : i32
        %dma_wait3A_126 = arith.constant 0 : i32
        %dma_wait3A_127 = tpu.memref_slice %arg2[%dma_wait3A_125, %dma_wait3A_126] : memref<10240x128xf32, #tpu.memory_space<hbm>> -> memref<128x128xf32, #tpu.memory_space<hbm>>
        %dma_wait3A_128 = arith.constant 0 : i32
        %dma_wait3A_129 = arith.constant 0 : i32
        %dma_wait3A_130 = tpu.memref_slice %arg8[%dma_wait3A_120, %dma_wait3A_128, %dma_wait3A_129] : memref<2x128x128xf32, #tpu.memory_space<vmem>> -> memref<1x128x128xf32, #tpu.memory_space<vmem>>
        %dma_wait3A_131 = tpu.memref_squeeze %dma_wait3A_130 : memref<1x128x128xf32, #tpu.memory_space<vmem>> -> memref<128x128xf32, #tpu.memory_space<vmem>>
        %dma_wait3A_132 = arith.constant 0 : i32
        %dma_wait3A_133 = arith.constant 0 : i32
        %dma_wait3A_134 = tpu.memref_slice %arg2[%dma_wait3A_132, %dma_wait3A_133] : memref<10240x128xf32, #tpu.memory_space<hbm>> -> memref<128x128xf32, #tpu.memory_space<hbm>>
        tpu.wait_dma2 semaphore(%arg11 : memref<!tpu.dma_semaphore, #tpu.memory_space<semaphore_mem>>) src(%dma_wait3A_134 : memref<128x128xf32, #tpu.memory_space<hbm>>) dst(%dma_wait3A_131 : memref<128x128xf32, #tpu.memory_space<vmem>>)
        %run_scoped3A = arith.constant 0 : i32
        %run_scoped3A_135 = arith.constant 0 : i32
        %run_scoped3A_136 = arith.constant 1 : i32
        "tpu.region"() ({
          %run_scoped3A_164 = tpu.sem_alloc : memref<!tpu.dma_semaphore, #tpu.memory_space<semaphore_mem>>
          %dma_start3A_165 = arith.constant 0 : i32
          %dma_start3A_166 = arith.constant 0 : i32
          %dma_start3A_167 = tpu.memref_slice %arg8[%run_scoped3A, %dma_start3A_165, %dma_start3A_166] : memref<2x128x128xf32, #tpu.memory_space<vmem>> -> memref<1x128x128xf32, #tpu.memory_space<vmem>>
          %dma_start3A_168 = tpu.memref_squeeze %dma_start3A_167 : memref<1x128x128xf32, #tpu.memory_space<vmem>> -> memref<128x128xf32, #tpu.memory_space<vmem>>
          %dma_start3A_169 = arith.constant 0 : i32
          %dma_start3A_170 = tpu.memref_slice %arg7[%run_scoped3A_135, %run_scoped3A_136, %dma_start3A_169] : memref<2x2x128xi32, #tpu.memory_space<vmem>> -> memref<1x1x128xi32, #tpu.memory_space<vmem>>
          %dma_start3A_171 = tpu.memref_squeeze %dma_start3A_170 : memref<1x1x128xi32, #tpu.memory_space<vmem>> -> memref<128xi32, #tpu.memory_space<vmem>>
          %dma_start3A_172 = arith.constant 0 : i32
          %dma_start3A_173 = arith.constant 0 : i32
          %dma_start3A_174 = tpu.memref_slice %arg6[%dma_start3A_172, %dma_start3A_173] : memref<10240x128xf32, #tpu.memory_space<vmem_shared>> -> memref<10240x128xf32, #tpu.memory_space<vmem_shared>>
          tpu.enqueue_indirect_dma source(%dma_start3A_168 : memref<128x128xf32, #tpu.memory_space<vmem>>) target(%dma_start3A_174 : memref<10240x128xf32, #tpu.memory_space<vmem_shared>>) offsets(%dma_start3A_171 : memref<128xi32, #tpu.memory_space<vmem>>) semaphore(%run_scoped3A_164 : memref<!tpu.dma_semaphore, #tpu.memory_space<semaphore_mem>>) {add = true}
          %dma_wait3A_175 = arith.constant 0 : i32
          %dma_wait3A_176 = arith.constant 0 : i32
          %dma_wait3A_177 = tpu.memref_slice %arg8[%run_scoped3A, %dma_wait3A_175, %dma_wait3A_176] : memref<2x128x128xf32, #tpu.memory_space<vmem>> -> memref<1x128x128xf32, #tpu.memory_space<vmem>>
          %dma_wait3A_178 = tpu.memref_squeeze %dma_wait3A_177 : memref<1x128x128xf32, #tpu.memory_space<vmem>> -> memref<128x128xf32, #tpu.memory_space<vmem>>
          %dma_wait3A_179 = arith.constant 0 : i32
          %dma_wait3A_180 = tpu.memref_slice %arg7[%run_scoped3A_135, %run_scoped3A_136, %dma_wait3A_179] : memref<2x2x128xi32, #tpu.memory_space<vmem>> -> memref<1x1x128xi32, #tpu.memory_space<vmem>>
          %dma_wait3A_181 = tpu.memref_squeeze %dma_wait3A_180 : memref<1x1x128xi32, #tpu.memory_space<vmem>> -> memref<128xi32, #tpu.memory_space<vmem>>
          %dma_wait3A_182 = arith.constant 0 : i32
          %dma_wait3A_183 = arith.constant 0 : i32
          %dma_wait3A_184 = tpu.memref_slice %arg6[%dma_wait3A_182, %dma_wait3A_183] : memref<10240x128xf32, #tpu.memory_space<vmem_shared>> -> memref<10240x128xf32, #tpu.memory_space<vmem_shared>>
          tpu.wait_indirect_dma semaphore(%run_scoped3A_164 : memref<!tpu.dma_semaphore, #tpu.memory_space<semaphore_mem>>) src(%dma_wait3A_178 : memref<128x128xf32, #tpu.memory_space<vmem>>) dst(%dma_wait3A_184 : memref<10240x128xf32, #tpu.memory_space<vmem_shared>>)
          tpu.yield
        }) : () -> ()
        %lt3A = arith.constant 61 : i32
        %lt3A_137 = arith.cmpi slt, %scan3A_56, %lt3A : i32
        %convert_element_type3A_138 = arith.extui %lt3A_137 : i1 to i32
        %cond3A_139 = arith.constant 0 : i32
        %cond3A_140 = arith.cmpi ne, %convert_element_type3A_138, %cond3A_139 : i32
        scf.if %cond3A_140 {
          %add3A_164 = arith.constant 2 : i32
          %add3A_165 = arith.addi %mul3A_58, %add3A_164 : i32
          %add3A_166 = arith.addi %mul3A_14, %add3A_165 : i32
          %dma_start3A_167 = arith.constant 0 : i32
          %dma_start3A_168 = arith.constant 0 : i32
          %dma_start3A_169 = arith.constant 0 : i32
          %dma_start3A_170 = tpu.memref_slice %arg7[%dma_start3A_167, %dma_start3A_168, %dma_start3A_169] : memref<2x2x128xi32, #tpu.memory_space<vmem>> -> memref<1x2x128xi32, #tpu.memory_space<vmem>>
          %dma_start3A_171 = tpu.memref_squeeze %dma_start3A_170 : memref<1x2x128xi32, #tpu.memory_space<vmem>> -> memref<2x128xi32, #tpu.memory_space<vmem>>
          %dma_start3A_172 = arith.constant 0 : i32
          %dma_start3A_173 = arith.constant 0 : i32
          %dma_start3A_174 = tpu.memref_slice %arg3[%add3A_166, %dma_start3A_172, %dma_start3A_173] : memref<2528x2x128xi32, #tpu.memory_space<hbm>> -> memref<1x2x128xi32, #tpu.memory_space<hbm>>
          %dma_start3A_175 = tpu.memref_squeeze %dma_start3A_174 : memref<1x2x128xi32, #tpu.memory_space<hbm>> -> memref<2x128xi32, #tpu.memory_space<hbm>>
          %dma_start3A_176 = arith.constant 0 : i32
          %dma_start3A_177 = arith.constant 0 : i32
          %dma_start3A_178 = tpu.memref_slice %arg7[%dma_start3A_167, %dma_start3A_176, %dma_start3A_177] : memref<2x2x128xi32, #tpu.memory_space<vmem>> -> memref<1x2x128xi32, #tpu.memory_space<vmem>>
          %dma_start3A_179 = tpu.memref_squeeze %dma_start3A_178 : memref<1x2x128xi32, #tpu.memory_space<vmem>> -> memref<2x128xi32, #tpu.memory_space<vmem>>
          %dma_start3A_180 = arith.constant 0 : i32
          %dma_start3A_181 = arith.constant 0 : i32
          %dma_start3A_182 = tpu.memref_slice %arg3[%add3A_166, %dma_start3A_180, %dma_start3A_181] : memref<2528x2x128xi32, #tpu.memory_space<hbm>> -> memref<1x2x128xi32, #tpu.memory_space<hbm>>
          %dma_start3A_183 = tpu.memref_squeeze %dma_start3A_182 : memref<1x2x128xi32, #tpu.memory_space<hbm>> -> memref<2x128xi32, #tpu.memory_space<hbm>>
          tpu.enqueue_dma source(%dma_start3A_183 : memref<2x128xi32, #tpu.memory_space<hbm>>) target(%dma_start3A_179 : memref<2x128xi32, #tpu.memory_space<vmem>>) target_semaphore(%arg9 : memref<!tpu.dma_semaphore, #tpu.memory_space<semaphore_mem>>)
        } else {
        }
        %dma_wait3A_141 = arith.constant 1 : i32
        %dma_wait3A_142 = arith.constant 0 : i32
        %dma_wait3A_143 = arith.constant 0 : i32
        %dma_wait3A_144 = tpu.memref_slice %arg8[%dma_wait3A_141, %dma_wait3A_142, %dma_wait3A_143] : memref<2x128x128xf32, #tpu.memory_space<vmem>> -> memref<1x128x128xf32, #tpu.memory_space<vmem>>
        %dma_wait3A_145 = tpu.memref_squeeze %dma_wait3A_144 : memref<1x128x128xf32, #tpu.memory_space<vmem>> -> memref<128x128xf32, #tpu.memory_space<vmem>>
        %dma_wait3A_146 = arith.constant 0 : i32
        %dma_wait3A_147 = arith.constant 0 : i32
        %dma_wait3A_148 = tpu.memref_slice %arg2[%dma_wait3A_146, %dma_wait3A_147] : memref<10240x128xf32, #tpu.memory_space<hbm>> -> memref<128x128xf32, #tpu.memory_space<hbm>>
        %dma_wait3A_149 = arith.constant 0 : i32
        %dma_wait3A_150 = arith.constant 0 : i32
        %dma_wait3A_151 = tpu.memref_slice %arg8[%dma_wait3A_141, %dma_wait3A_149, %dma_wait3A_150] : memref<2x128x128xf32, #tpu.memory_space<vmem>> -> memref<1x128x128xf32, #tpu.memory_space<vmem>>
        %dma_wait3A_152 = tpu.memref_squeeze %dma_wait3A_151 : memref<1x128x128xf32, #tpu.memory_space<vmem>> -> memref<128x128xf32, #tpu.memory_space<vmem>>
        %dma_wait3A_153 = arith.constant 0 : i32
        %dma_wait3A_154 = arith.constant 0 : i32
        %dma_wait3A_155 = tpu.memref_slice %arg2[%dma_wait3A_153, %dma_wait3A_154] : memref<10240x128xf32, #tpu.memory_space<hbm>> -> memref<128x128xf32, #tpu.memory_space<hbm>>
        tpu.wait_dma2 semaphore(%arg12 : memref<!tpu.dma_semaphore, #tpu.memory_space<semaphore_mem>>) src(%dma_wait3A_155 : memref<128x128xf32, #tpu.memory_space<hbm>>) dst(%dma_wait3A_152 : memref<128x128xf32, #tpu.memory_space<vmem>>)
        %run_scoped3A_156 = arith.constant 1 : i32
        %run_scoped3A_157 = arith.constant 1 : i32
        %run_scoped3A_158 = arith.constant 1 : i32
        "tpu.region"() ({
          %run_scoped3A_164 = tpu.sem_alloc : memref<!tpu.dma_semaphore, #tpu.memory_space<semaphore_mem>>
          %dma_start3A_165 = arith.constant 0 : i32
          %dma_start3A_166 = arith.constant 0 : i32
          %dma_start3A_167 = tpu.memref_slice %arg8[%run_scoped3A_156, %dma_start3A_165, %dma_start3A_166] : memref<2x128x128xf32, #tpu.memory_space<vmem>> -> memref<1x128x128xf32, #tpu.memory_space<vmem>>
          %dma_start3A_168 = tpu.memref_squeeze %dma_start3A_167 : memref<1x128x128xf32, #tpu.memory_space<vmem>> -> memref<128x128xf32, #tpu.memory_space<vmem>>
          %dma_start3A_169 = arith.constant 0 : i32
          %dma_start3A_170 = tpu.memref_slice %arg7[%run_scoped3A_157, %run_scoped3A_158, %dma_start3A_169] : memref<2x2x128xi32, #tpu.memory_space<vmem>> -> memref<1x1x128xi32, #tpu.memory_space<vmem>>
          %dma_start3A_171 = tpu.memref_squeeze %dma_start3A_170 : memref<1x1x128xi32, #tpu.memory_space<vmem>> -> memref<128xi32, #tpu.memory_space<vmem>>
          %dma_start3A_172 = arith.constant 0 : i32
          %dma_start3A_173 = arith.constant 0 : i32
          %dma_start3A_174 = tpu.memref_slice %arg6[%dma_start3A_172, %dma_start3A_173] : memref<10240x128xf32, #tpu.memory_space<vmem_shared>> -> memref<10240x128xf32, #tpu.memory_space<vmem_shared>>
          tpu.enqueue_indirect_dma source(%dma_start3A_168 : memref<128x128xf32, #tpu.memory_space<vmem>>) target(%dma_start3A_174 : memref<10240x128xf32, #tpu.memory_space<vmem_shared>>) offsets(%dma_start3A_171 : memref<128xi32, #tpu.memory_space<vmem>>) semaphore(%run_scoped3A_164 : memref<!tpu.dma_semaphore, #tpu.memory_space<semaphore_mem>>) {add = true}
          %dma_wait3A_175 = arith.constant 0 : i32
          %dma_wait3A_176 = arith.constant 0 : i32
          %dma_wait3A_177 = tpu.memref_slice %arg8[%run_scoped3A_156, %dma_wait3A_175, %dma_wait3A_176] : memref<2x128x128xf32, #tpu.memory_space<vmem>> -> memref<1x128x128xf32, #tpu.memory_space<vmem>>
          %dma_wait3A_178 = tpu.memref_squeeze %dma_wait3A_177 : memref<1x128x128xf32, #tpu.memory_space<vmem>> -> memref<128x128xf32, #tpu.memory_space<vmem>>
          %dma_wait3A_179 = arith.constant 0 : i32
          %dma_wait3A_180 = tpu.memref_slice %arg7[%run_scoped3A_157, %run_scoped3A_158, %dma_wait3A_179] : memref<2x2x128xi32, #tpu.memory_space<vmem>> -> memref<1x1x128xi32, #tpu.memory_space<vmem>>
          %dma_wait3A_181 = tpu.memref_squeeze %dma_wait3A_180 : memref<1x1x128xi32, #tpu.memory_space<vmem>> -> memref<128xi32, #tpu.memory_space<vmem>>
          %dma_wait3A_182 = arith.constant 0 : i32
          %dma_wait3A_183 = arith.constant 0 : i32
          %dma_wait3A_184 = tpu.memref_slice %arg6[%dma_wait3A_182, %dma_wait3A_183] : memref<10240x128xf32, #tpu.memory_space<vmem_shared>> -> memref<10240x128xf32, #tpu.memory_space<vmem_shared>>
          tpu.wait_indirect_dma semaphore(%run_scoped3A_164 : memref<!tpu.dma_semaphore, #tpu.memory_space<semaphore_mem>>) src(%dma_wait3A_178 : memref<128x128xf32, #tpu.memory_space<vmem>>) dst(%dma_wait3A_184 : memref<10240x128xf32, #tpu.memory_space<vmem_shared>>)
          tpu.yield
        }) : () -> ()
        %lt3A_159 = arith.constant 61 : i32
        %lt3A_160 = arith.cmpi slt, %scan3A_56, %lt3A_159 : i32
        %convert_element_type3A_161 = arith.extui %lt3A_160 : i1 to i32
        %cond3A_162 = arith.constant 0 : i32
        %cond3A_163 = arith.cmpi ne, %convert_element_type3A_161, %cond3A_162 : i32
        scf.if %cond3A_163 {
          %add3A_164 = arith.constant 3 : i32
          %add3A_165 = arith.addi %mul3A_58, %add3A_164 : i32
          %add3A_166 = arith.addi %mul3A_14, %add3A_165 : i32
          %dma_start3A_167 = arith.constant 1 : i32
          %dma_start3A_168 = arith.constant 0 : i32
          %dma_start3A_169 = arith.constant 0 : i32
          %dma_start3A_170 = tpu.memref_slice %arg7[%dma_start3A_167, %dma_start3A_168, %dma_start3A_169] : memref<2x2x128xi32, #tpu.memory_space<vmem>> -> memref<1x2x128xi32, #tpu.memory_space<vmem>>
          %dma_start3A_171 = tpu.memref_squeeze %dma_start3A_170 : memref<1x2x128xi32, #tpu.memory_space<vmem>> -> memref<2x128xi32, #tpu.memory_space<vmem>>
          %dma_start3A_172 = arith.constant 0 : i32
          %dma_start3A_173 = arith.constant 0 : i32
          %dma_start3A_174 = tpu.memref_slice %arg3[%add3A_166, %dma_start3A_172, %dma_start3A_173] : memref<2528x2x128xi32, #tpu.memory_space<hbm>> -> memref<1x2x128xi32, #tpu.memory_space<hbm>>
          %dma_start3A_175 = tpu.memref_squeeze %dma_start3A_174 : memref<1x2x128xi32, #tpu.memory_space<hbm>> -> memref<2x128xi32, #tpu.memory_space<hbm>>
          %dma_start3A_176 = arith.constant 0 : i32
          %dma_start3A_177 = arith.constant 0 : i32
          %dma_start3A_178 = tpu.memref_slice %arg7[%dma_start3A_167, %dma_start3A_176, %dma_start3A_177] : memref<2x2x128xi32, #tpu.memory_space<vmem>> -> memref<1x2x128xi32, #tpu.memory_space<vmem>>
          %dma_start3A_179 = tpu.memref_squeeze %dma_start3A_178 : memref<1x2x128xi32, #tpu.memory_space<vmem>> -> memref<2x128xi32, #tpu.memory_space<vmem>>
          %dma_start3A_180 = arith.constant 0 : i32
          %dma_start3A_181 = arith.constant 0 : i32
          %dma_start3A_182 = tpu.memref_slice %arg3[%add3A_166, %dma_start3A_180, %dma_start3A_181] : memref<2528x2x128xi32, #tpu.memory_space<hbm>> -> memref<1x2x128xi32, #tpu.memory_space<hbm>>
          %dma_start3A_183 = tpu.memref_squeeze %dma_start3A_182 : memref<1x2x128xi32, #tpu.memory_space<hbm>> -> memref<2x128xi32, #tpu.memory_space<hbm>>
          tpu.enqueue_dma source(%dma_start3A_183 : memref<2x128xi32, #tpu.memory_space<hbm>>) target(%dma_start3A_179 : memref<2x128xi32, #tpu.memory_space<vmem>>) target_semaphore(%arg10 : memref<!tpu.dma_semaphore, #tpu.memory_space<semaphore_mem>>)
        } else {
        }
      }
      %scan3A_55 = arith.constant 62 : i32
    } else {
    }
    %eq3A_3 = arith.constant 1 : i32
    %eq3A_4 = arith.cmpi eq, %arg0, %eq3A_3 : i32
    %convert_element_type3A_5 = arith.extui %eq3A_4 : i1 to i32
    %cond3A_6 = arith.constant 0 : i32
    %cond3A_7 = arith.cmpi ne, %convert_element_type3A_5, %cond3A_6 : i32
    scf.if %cond3A_7 {
      %mul3A_13 = arith.constant 34 : i32
      %mul3A_14 = arith.muli %arg1, %mul3A_13 : i32
      %add3A = arith.constant 1984 : i32
      %add3A_15 = arith.addi %add3A, %mul3A_14 : i32
      %add3A_16 = arith.constant 0 : i32
      %add3A_17 = arith.addi %add3A_15, %add3A_16 : i32
      %dma_start3A = arith.constant 0 : i32
      %dma_start3A_18 = arith.constant 0 : i32
      %dma_start3A_19 = arith.constant 0 : i32
      %dma_start3A_20 = tpu.memref_slice %arg7[%dma_start3A, %dma_start3A_18, %dma_start3A_19] : memref<2x2x128xi32, #tpu.memory_space<vmem>> -> memref<1x2x128xi32, #tpu.memory_space<vmem>>
      %dma_start3A_21 = tpu.memref_squeeze %dma_start3A_20 : memref<1x2x128xi32, #tpu.memory_space<vmem>> -> memref<2x128xi32, #tpu.memory_space<vmem>>
      %dma_start3A_22 = arith.constant 0 : i32
      %dma_start3A_23 = arith.constant 0 : i32
      %dma_start3A_24 = tpu.memref_slice %arg3[%add3A_17, %dma_start3A_22, %dma_start3A_23] : memref<2528x2x128xi32, #tpu.memory_space<hbm>> -> memref<1x2x128xi32, #tpu.memory_space<hbm>>
      %dma_start3A_25 = tpu.memref_squeeze %dma_start3A_24 : memref<1x2x128xi32, #tpu.memory_space<hbm>> -> memref<2x128xi32, #tpu.memory_space<hbm>>
      %dma_start3A_26 = arith.constant 0 : i32
      %dma_start3A_27 = arith.constant 0 : i32
      %dma_start3A_28 = tpu.memref_slice %arg7[%dma_start3A, %dma_start3A_26, %dma_start3A_27] : memref<2x2x128xi32, #tpu.memory_space<vmem>> -> memref<1x2x128xi32, #tpu.memory_space<vmem>>
      %dma_start3A_29 = tpu.memref_squeeze %dma_start3A_28 : memref<1x2x128xi32, #tpu.memory_space<vmem>> -> memref<2x128xi32, #tpu.memory_space<vmem>>
      %dma_start3A_30 = arith.constant 0 : i32
      %dma_start3A_31 = arith.constant 0 : i32
      %dma_start3A_32 = tpu.memref_slice %arg3[%add3A_17, %dma_start3A_30, %dma_start3A_31] : memref<2528x2x128xi32, #tpu.memory_space<hbm>> -> memref<1x2x128xi32, #tpu.memory_space<hbm>>
      %dma_start3A_33 = tpu.memref_squeeze %dma_start3A_32 : memref<1x2x128xi32, #tpu.memory_space<hbm>> -> memref<2x128xi32, #tpu.memory_space<hbm>>
      tpu.enqueue_dma source(%dma_start3A_33 : memref<2x128xi32, #tpu.memory_space<hbm>>) target(%dma_start3A_29 : memref<2x128xi32, #tpu.memory_space<vmem>>) target_semaphore(%arg9 : memref<!tpu.dma_semaphore, #tpu.memory_space<semaphore_mem>>)
      %add3A_34 = arith.constant 1 : i32
      %add3A_35 = arith.addi %add3A_15, %add3A_34 : i32
      %dma_start3A_36 = arith.constant 1 : i32
      %dma_start3A_37 = arith.constant 0 : i32
      %dma_start3A_38 = arith.constant 0 : i32
      %dma_start3A_39 = tpu.memref_slice %arg7[%dma_start3A_36, %dma_start3A_37, %dma_start3A_38] : memref<2x2x128xi32, #tpu.memory_space<vmem>> -> memref<1x2x128xi32, #tpu.memory_space<vmem>>
      %dma_start3A_40 = tpu.memref_squeeze %dma_start3A_39 : memref<1x2x128xi32, #tpu.memory_space<vmem>> -> memref<2x128xi32, #tpu.memory_space<vmem>>
      %dma_start3A_41 = arith.constant 0 : i32
      %dma_start3A_42 = arith.constant 0 : i32
      %dma_start3A_43 = tpu.memref_slice %arg3[%add3A_35, %dma_start3A_41, %dma_start3A_42] : memref<2528x2x128xi32, #tpu.memory_space<hbm>> -> memref<1x2x128xi32, #tpu.memory_space<hbm>>
      %dma_start3A_44 = tpu.memref_squeeze %dma_start3A_43 : memref<1x2x128xi32, #tpu.memory_space<hbm>> -> memref<2x128xi32, #tpu.memory_space<hbm>>
      %dma_start3A_45 = arith.constant 0 : i32
      %dma_start3A_46 = arith.constant 0 : i32
      %dma_start3A_47 = tpu.memref_slice %arg7[%dma_start3A_36, %dma_start3A_45, %dma_start3A_46] : memref<2x2x128xi32, #tpu.memory_space<vmem>> -> memref<1x2x128xi32, #tpu.memory_space<vmem>>
      %dma_start3A_48 = tpu.memref_squeeze %dma_start3A_47 : memref<1x2x128xi32, #tpu.memory_space<vmem>> -> memref<2x128xi32, #tpu.memory_space<vmem>>
      %dma_start3A_49 = arith.constant 0 : i32
      %dma_start3A_50 = arith.constant 0 : i32
      %dma_start3A_51 = tpu.memref_slice %arg3[%add3A_35, %dma_start3A_49, %dma_start3A_50] : memref<2528x2x128xi32, #tpu.memory_space<hbm>> -> memref<1x2x128xi32, #tpu.memory_space<hbm>>
      %dma_start3A_52 = tpu.memref_squeeze %dma_start3A_51 : memref<1x2x128xi32, #tpu.memory_space<hbm>> -> memref<2x128xi32, #tpu.memory_space<hbm>>
      tpu.enqueue_dma source(%dma_start3A_52 : memref<2x128xi32, #tpu.memory_space<hbm>>) target(%dma_start3A_48 : memref<2x128xi32, #tpu.memory_space<vmem>>) target_semaphore(%arg10 : memref<!tpu.dma_semaphore, #tpu.memory_space<semaphore_mem>>)
      %scan3A = arith.constant 0 : i32
      %scan3A_53 = arith.constant 0 : i32
      %scan3A_54 = arith.constant 17 : i32
      %scan3A_55 = arith.addi %scan3A_53, %scan3A_54 : i32
      %scan3A_56 = arith.constant 1 : i32
      scf.for %scan3A_58 = %scan3A_53 to %scan3A_55 step %scan3A_56  : i32 {
        %mul3A_59 = arith.constant 2 : i32
        %mul3A_60 = arith.muli %mul3A_59, %scan3A_58 : i32
        %dma_wait3A = arith.constant 0 : i32
        %dma_wait3A_61 = arith.constant 0 : i32
        %dma_wait3A_62 = arith.constant 0 : i32
        %dma_wait3A_63 = arith.constant 0 : i32
        %dma_wait3A_64 = tpu.memref_slice %arg7[%dma_wait3A_61, %dma_wait3A_62, %dma_wait3A_63] : memref<2x2x128xi32, #tpu.memory_space<vmem>> -> memref<1x2x128xi32, #tpu.memory_space<vmem>>
        %dma_wait3A_65 = tpu.memref_squeeze %dma_wait3A_64 : memref<1x2x128xi32, #tpu.memory_space<vmem>> -> memref<2x128xi32, #tpu.memory_space<vmem>>
        %dma_wait3A_66 = arith.constant 0 : i32
        %dma_wait3A_67 = arith.constant 0 : i32
        %dma_wait3A_68 = tpu.memref_slice %arg3[%dma_wait3A, %dma_wait3A_66, %dma_wait3A_67] : memref<2528x2x128xi32, #tpu.memory_space<hbm>> -> memref<1x2x128xi32, #tpu.memory_space<hbm>>
        %dma_wait3A_69 = tpu.memref_squeeze %dma_wait3A_68 : memref<1x2x128xi32, #tpu.memory_space<hbm>> -> memref<2x128xi32, #tpu.memory_space<hbm>>
        %dma_wait3A_70 = arith.constant 0 : i32
        %dma_wait3A_71 = arith.constant 0 : i32
        %dma_wait3A_72 = tpu.memref_slice %arg7[%dma_wait3A_61, %dma_wait3A_70, %dma_wait3A_71] : memref<2x2x128xi32, #tpu.memory_space<vmem>> -> memref<1x2x128xi32, #tpu.memory_space<vmem>>
        %dma_wait3A_73 = tpu.memref_squeeze %dma_wait3A_72 : memref<1x2x128xi32, #tpu.memory_space<vmem>> -> memref<2x128xi32, #tpu.memory_space<vmem>>
        %dma_wait3A_74 = arith.constant 0 : i32
        %dma_wait3A_75 = arith.constant 0 : i32
        %dma_wait3A_76 = tpu.memref_slice %arg3[%dma_wait3A, %dma_wait3A_74, %dma_wait3A_75] : memref<2528x2x128xi32, #tpu.memory_space<hbm>> -> memref<1x2x128xi32, #tpu.memory_space<hbm>>
        %dma_wait3A_77 = tpu.memref_squeeze %dma_wait3A_76 : memref<1x2x128xi32, #tpu.memory_space<hbm>> -> memref<2x128xi32, #tpu.memory_space<hbm>>
        tpu.wait_dma2 semaphore(%arg9 : memref<!tpu.dma_semaphore, #tpu.memory_space<semaphore_mem>>) src(%dma_wait3A_77 : memref<2x128xi32, #tpu.memory_space<hbm>>) dst(%dma_wait3A_73 : memref<2x128xi32, #tpu.memory_space<vmem>>)
        %dma_start3A_78 = arith.constant 0 : i32
        %dma_start3A_79 = arith.constant 0 : i32
        %dma_start3A_80 = arith.constant 0 : i32
        %dma_start3A_81 = arith.constant 0 : i32
        %dma_start3A_82 = arith.constant 0 : i32
        %dma_start3A_83 = tpu.memref_slice %arg8[%dma_start3A_80, %dma_start3A_81, %dma_start3A_82] : memref<2x128x128xf32, #tpu.memory_space<vmem>> -> memref<1x128x128xf32, #tpu.memory_space<vmem>>
        %dma_start3A_84 = tpu.memref_squeeze %dma_start3A_83 : memref<1x128x128xf32, #tpu.memory_space<vmem>> -> memref<128x128xf32, #tpu.memory_space<vmem>>
        %dma_start3A_85 = arith.constant 0 : i32
        %dma_start3A_86 = tpu.memref_slice %arg7[%dma_start3A_78, %dma_start3A_79, %dma_start3A_85] : memref<2x2x128xi32, #tpu.memory_space<vmem>> -> memref<1x1x128xi32, #tpu.memory_space<vmem>>
        %dma_start3A_87 = tpu.memref_squeeze %dma_start3A_86 : memref<1x1x128xi32, #tpu.memory_space<vmem>> -> memref<128xi32, #tpu.memory_space<vmem>>
        %dma_start3A_88 = arith.constant 0 : i32
        %dma_start3A_89 = arith.constant 0 : i32
        %dma_start3A_90 = tpu.memref_slice %arg2[%dma_start3A_88, %dma_start3A_89] : memref<10240x128xf32, #tpu.memory_space<hbm>> -> memref<10240x128xf32, #tpu.memory_space<hbm>>
        tpu.enqueue_indirect_dma source(%dma_start3A_90 : memref<10240x128xf32, #tpu.memory_space<hbm>>) target(%dma_start3A_84 : memref<128x128xf32, #tpu.memory_space<vmem>>) offsets(%dma_start3A_87 : memref<128xi32, #tpu.memory_space<vmem>>) semaphore(%arg11 : memref<!tpu.dma_semaphore, #tpu.memory_space<semaphore_mem>>)
        %dma_wait3A_91 = arith.constant 0 : i32
        %dma_wait3A_92 = arith.constant 1 : i32
        %dma_wait3A_93 = arith.constant 0 : i32
        %dma_wait3A_94 = arith.constant 0 : i32
        %dma_wait3A_95 = tpu.memref_slice %arg7[%dma_wait3A_92, %dma_wait3A_93, %dma_wait3A_94] : memref<2x2x128xi32, #tpu.memory_space<vmem>> -> memref<1x2x128xi32, #tpu.memory_space<vmem>>
        %dma_wait3A_96 = tpu.memref_squeeze %dma_wait3A_95 : memref<1x2x128xi32, #tpu.memory_space<vmem>> -> memref<2x128xi32, #tpu.memory_space<vmem>>
        %dma_wait3A_97 = arith.constant 0 : i32
        %dma_wait3A_98 = arith.constant 0 : i32
        %dma_wait3A_99 = tpu.memref_slice %arg3[%dma_wait3A_91, %dma_wait3A_97, %dma_wait3A_98] : memref<2528x2x128xi32, #tpu.memory_space<hbm>> -> memref<1x2x128xi32, #tpu.memory_space<hbm>>
        %dma_wait3A_100 = tpu.memref_squeeze %dma_wait3A_99 : memref<1x2x128xi32, #tpu.memory_space<hbm>> -> memref<2x128xi32, #tpu.memory_space<hbm>>
        %dma_wait3A_101 = arith.constant 0 : i32
        %dma_wait3A_102 = arith.constant 0 : i32
        %dma_wait3A_103 = tpu.memref_slice %arg7[%dma_wait3A_92, %dma_wait3A_101, %dma_wait3A_102] : memref<2x2x128xi32, #tpu.memory_space<vmem>> -> memref<1x2x128xi32, #tpu.memory_space<vmem>>
        %dma_wait3A_104 = tpu.memref_squeeze %dma_wait3A_103 : memref<1x2x128xi32, #tpu.memory_space<vmem>> -> memref<2x128xi32, #tpu.memory_space<vmem>>
        %dma_wait3A_105 = arith.constant 0 : i32
        %dma_wait3A_106 = arith.constant 0 : i32
        %dma_wait3A_107 = tpu.memref_slice %arg3[%dma_wait3A_91, %dma_wait3A_105, %dma_wait3A_106] : memref<2528x2x128xi32, #tpu.memory_space<hbm>> -> memref<1x2x128xi32, #tpu.memory_space<hbm>>
        %dma_wait3A_108 = tpu.memref_squeeze %dma_wait3A_107 : memref<1x2x128xi32, #tpu.memory_space<hbm>> -> memref<2x128xi32, #tpu.memory_space<hbm>>
        tpu.wait_dma2 semaphore(%arg10 : memref<!tpu.dma_semaphore, #tpu.memory_space<semaphore_mem>>) src(%dma_wait3A_108 : memref<2x128xi32, #tpu.memory_space<hbm>>) dst(%dma_wait3A_104 : memref<2x128xi32, #tpu.memory_space<vmem>>)
        %dma_start3A_109 = arith.constant 1 : i32
        %dma_start3A_110 = arith.constant 0 : i32
        %dma_start3A_111 = arith.constant 1 : i32
        %dma_start3A_112 = arith.constant 0 : i32
        %dma_start3A_113 = arith.constant 0 : i32
        %dma_start3A_114 = tpu.memref_slice %arg8[%dma_start3A_111, %dma_start3A_112, %dma_start3A_113] : memref<2x128x128xf32, #tpu.memory_space<vmem>> -> memref<1x128x128xf32, #tpu.memory_space<vmem>>
        %dma_start3A_115 = tpu.memref_squeeze %dma_start3A_114 : memref<1x128x128xf32, #tpu.memory_space<vmem>> -> memref<128x128xf32, #tpu.memory_space<vmem>>
        %dma_start3A_116 = arith.constant 0 : i32
        %dma_start3A_117 = tpu.memref_slice %arg7[%dma_start3A_109, %dma_start3A_110, %dma_start3A_116] : memref<2x2x128xi32, #tpu.memory_space<vmem>> -> memref<1x1x128xi32, #tpu.memory_space<vmem>>
        %dma_start3A_118 = tpu.memref_squeeze %dma_start3A_117 : memref<1x1x128xi32, #tpu.memory_space<vmem>> -> memref<128xi32, #tpu.memory_space<vmem>>
        %dma_start3A_119 = arith.constant 0 : i32
        %dma_start3A_120 = arith.constant 0 : i32
        %dma_start3A_121 = tpu.memref_slice %arg2[%dma_start3A_119, %dma_start3A_120] : memref<10240x128xf32, #tpu.memory_space<hbm>> -> memref<10240x128xf32, #tpu.memory_space<hbm>>
        tpu.enqueue_indirect_dma source(%dma_start3A_121 : memref<10240x128xf32, #tpu.memory_space<hbm>>) target(%dma_start3A_115 : memref<128x128xf32, #tpu.memory_space<vmem>>) offsets(%dma_start3A_118 : memref<128xi32, #tpu.memory_space<vmem>>) semaphore(%arg12 : memref<!tpu.dma_semaphore, #tpu.memory_space<semaphore_mem>>)
        %dma_wait3A_122 = arith.constant 0 : i32
        %dma_wait3A_123 = arith.constant 0 : i32
        %dma_wait3A_124 = arith.constant 0 : i32
        %dma_wait3A_125 = tpu.memref_slice %arg8[%dma_wait3A_122, %dma_wait3A_123, %dma_wait3A_124] : memref<2x128x128xf32, #tpu.memory_space<vmem>> -> memref<1x128x128xf32, #tpu.memory_space<vmem>>
        %dma_wait3A_126 = tpu.memref_squeeze %dma_wait3A_125 : memref<1x128x128xf32, #tpu.memory_space<vmem>> -> memref<128x128xf32, #tpu.memory_space<vmem>>
        %dma_wait3A_127 = arith.constant 0 : i32
        %dma_wait3A_128 = arith.constant 0 : i32
        %dma_wait3A_129 = tpu.memref_slice %arg2[%dma_wait3A_127, %dma_wait3A_128] : memref<10240x128xf32, #tpu.memory_space<hbm>> -> memref<128x128xf32, #tpu.memory_space<hbm>>
        %dma_wait3A_130 = arith.constant 0 : i32
        %dma_wait3A_131 = arith.constant 0 : i32
        %dma_wait3A_132 = tpu.memref_slice %arg8[%dma_wait3A_122, %dma_wait3A_130, %dma_wait3A_131] : memref<2x128x128xf32, #tpu.memory_space<vmem>> -> memref<1x128x128xf32, #tpu.memory_space<vmem>>
        %dma_wait3A_133 = tpu.memref_squeeze %dma_wait3A_132 : memref<1x128x128xf32, #tpu.memory_space<vmem>> -> memref<128x128xf32, #tpu.memory_space<vmem>>
        %dma_wait3A_134 = arith.constant 0 : i32
        %dma_wait3A_135 = arith.constant 0 : i32
        %dma_wait3A_136 = tpu.memref_slice %arg2[%dma_wait3A_134, %dma_wait3A_135] : memref<10240x128xf32, #tpu.memory_space<hbm>> -> memref<128x128xf32, #tpu.memory_space<hbm>>
        tpu.wait_dma2 semaphore(%arg11 : memref<!tpu.dma_semaphore, #tpu.memory_space<semaphore_mem>>) src(%dma_wait3A_136 : memref<128x128xf32, #tpu.memory_space<hbm>>) dst(%dma_wait3A_133 : memref<128x128xf32, #tpu.memory_space<vmem>>)
        %run_scoped3A = arith.constant 0 : i32
        %run_scoped3A_137 = arith.constant 0 : i32
        %run_scoped3A_138 = arith.constant 1 : i32
        "tpu.region"() ({
          %run_scoped3A_166 = tpu.sem_alloc : memref<!tpu.dma_semaphore, #tpu.memory_space<semaphore_mem>>
          %dma_start3A_167 = arith.constant 0 : i32
          %dma_start3A_168 = arith.constant 0 : i32
          %dma_start3A_169 = tpu.memref_slice %arg8[%run_scoped3A, %dma_start3A_167, %dma_start3A_168] : memref<2x128x128xf32, #tpu.memory_space<vmem>> -> memref<1x128x128xf32, #tpu.memory_space<vmem>>
          %dma_start3A_170 = tpu.memref_squeeze %dma_start3A_169 : memref<1x128x128xf32, #tpu.memory_space<vmem>> -> memref<128x128xf32, #tpu.memory_space<vmem>>
          %dma_start3A_171 = arith.constant 0 : i32
          %dma_start3A_172 = tpu.memref_slice %arg7[%run_scoped3A_137, %run_scoped3A_138, %dma_start3A_171] : memref<2x2x128xi32, #tpu.memory_space<vmem>> -> memref<1x1x128xi32, #tpu.memory_space<vmem>>
          %dma_start3A_173 = tpu.memref_squeeze %dma_start3A_172 : memref<1x1x128xi32, #tpu.memory_space<vmem>> -> memref<128xi32, #tpu.memory_space<vmem>>
          %dma_start3A_174 = arith.constant 0 : i32
          %dma_start3A_175 = arith.constant 0 : i32
          %dma_start3A_176 = tpu.memref_slice %arg6[%dma_start3A_174, %dma_start3A_175] : memref<10240x128xf32, #tpu.memory_space<vmem_shared>> -> memref<10240x128xf32, #tpu.memory_space<vmem_shared>>
          tpu.enqueue_indirect_dma source(%dma_start3A_170 : memref<128x128xf32, #tpu.memory_space<vmem>>) target(%dma_start3A_176 : memref<10240x128xf32, #tpu.memory_space<vmem_shared>>) offsets(%dma_start3A_173 : memref<128xi32, #tpu.memory_space<vmem>>) semaphore(%run_scoped3A_166 : memref<!tpu.dma_semaphore, #tpu.memory_space<semaphore_mem>>) {add = true}
          %dma_wait3A_177 = arith.constant 0 : i32
          %dma_wait3A_178 = arith.constant 0 : i32
          %dma_wait3A_179 = tpu.memref_slice %arg8[%run_scoped3A, %dma_wait3A_177, %dma_wait3A_178] : memref<2x128x128xf32, #tpu.memory_space<vmem>> -> memref<1x128x128xf32, #tpu.memory_space<vmem>>
          %dma_wait3A_180 = tpu.memref_squeeze %dma_wait3A_179 : memref<1x128x128xf32, #tpu.memory_space<vmem>> -> memref<128x128xf32, #tpu.memory_space<vmem>>
          %dma_wait3A_181 = arith.constant 0 : i32
          %dma_wait3A_182 = tpu.memref_slice %arg7[%run_scoped3A_137, %run_scoped3A_138, %dma_wait3A_181] : memref<2x2x128xi32, #tpu.memory_space<vmem>> -> memref<1x1x128xi32, #tpu.memory_space<vmem>>
          %dma_wait3A_183 = tpu.memref_squeeze %dma_wait3A_182 : memref<1x1x128xi32, #tpu.memory_space<vmem>> -> memref<128xi32, #tpu.memory_space<vmem>>
          %dma_wait3A_184 = arith.constant 0 : i32
          %dma_wait3A_185 = arith.constant 0 : i32
          %dma_wait3A_186 = tpu.memref_slice %arg6[%dma_wait3A_184, %dma_wait3A_185] : memref<10240x128xf32, #tpu.memory_space<vmem_shared>> -> memref<10240x128xf32, #tpu.memory_space<vmem_shared>>
          tpu.wait_indirect_dma semaphore(%run_scoped3A_166 : memref<!tpu.dma_semaphore, #tpu.memory_space<semaphore_mem>>) src(%dma_wait3A_180 : memref<128x128xf32, #tpu.memory_space<vmem>>) dst(%dma_wait3A_186 : memref<10240x128xf32, #tpu.memory_space<vmem_shared>>)
          tpu.yield
        }) : () -> ()
        %lt3A = arith.constant 16 : i32
        %lt3A_139 = arith.cmpi slt, %scan3A_58, %lt3A : i32
        %convert_element_type3A_140 = arith.extui %lt3A_139 : i1 to i32
        %cond3A_141 = arith.constant 0 : i32
        %cond3A_142 = arith.cmpi ne, %convert_element_type3A_140, %cond3A_141 : i32
        scf.if %cond3A_142 {
          %add3A_166 = arith.constant 2 : i32
          %add3A_167 = arith.addi %mul3A_60, %add3A_166 : i32
          %add3A_168 = arith.addi %add3A_15, %add3A_167 : i32
          %dma_start3A_169 = arith.constant 0 : i32
          %dma_start3A_170 = arith.constant 0 : i32
          %dma_start3A_171 = arith.constant 0 : i32
          %dma_start3A_172 = tpu.memref_slice %arg7[%dma_start3A_169, %dma_start3A_170, %dma_start3A_171] : memref<2x2x128xi32, #tpu.memory_space<vmem>> -> memref<1x2x128xi32, #tpu.memory_space<vmem>>
          %dma_start3A_173 = tpu.memref_squeeze %dma_start3A_172 : memref<1x2x128xi32, #tpu.memory_space<vmem>> -> memref<2x128xi32, #tpu.memory_space<vmem>>
          %dma_start3A_174 = arith.constant 0 : i32
          %dma_start3A_175 = arith.constant 0 : i32
          %dma_start3A_176 = tpu.memref_slice %arg3[%add3A_168, %dma_start3A_174, %dma_start3A_175] : memref<2528x2x128xi32, #tpu.memory_space<hbm>> -> memref<1x2x128xi32, #tpu.memory_space<hbm>>
          %dma_start3A_177 = tpu.memref_squeeze %dma_start3A_176 : memref<1x2x128xi32, #tpu.memory_space<hbm>> -> memref<2x128xi32, #tpu.memory_space<hbm>>
          %dma_start3A_178 = arith.constant 0 : i32
          %dma_start3A_179 = arith.constant 0 : i32
          %dma_start3A_180 = tpu.memref_slice %arg7[%dma_start3A_169, %dma_start3A_178, %dma_start3A_179] : memref<2x2x128xi32, #tpu.memory_space<vmem>> -> memref<1x2x128xi32, #tpu.memory_space<vmem>>
          %dma_start3A_181 = tpu.memref_squeeze %dma_start3A_180 : memref<1x2x128xi32, #tpu.memory_space<vmem>> -> memref<2x128xi32, #tpu.memory_space<vmem>>
          %dma_start3A_182 = arith.constant 0 : i32
          %dma_start3A_183 = arith.constant 0 : i32
          %dma_start3A_184 = tpu.memref_slice %arg3[%add3A_168, %dma_start3A_182, %dma_start3A_183] : memref<2528x2x128xi32, #tpu.memory_space<hbm>> -> memref<1x2x128xi32, #tpu.memory_space<hbm>>
          %dma_start3A_185 = tpu.memref_squeeze %dma_start3A_184 : memref<1x2x128xi32, #tpu.memory_space<hbm>> -> memref<2x128xi32, #tpu.memory_space<hbm>>
          tpu.enqueue_dma source(%dma_start3A_185 : memref<2x128xi32, #tpu.memory_space<hbm>>) target(%dma_start3A_181 : memref<2x128xi32, #tpu.memory_space<vmem>>) target_semaphore(%arg9 : memref<!tpu.dma_semaphore, #tpu.memory_space<semaphore_mem>>)
        } else {
        }
        %dma_wait3A_143 = arith.constant 1 : i32
        %dma_wait3A_144 = arith.constant 0 : i32
        %dma_wait3A_145 = arith.constant 0 : i32
        %dma_wait3A_146 = tpu.memref_slice %arg8[%dma_wait3A_143, %dma_wait3A_144, %dma_wait3A_145] : memref<2x128x128xf32, #tpu.memory_space<vmem>> -> memref<1x128x128xf32, #tpu.memory_space<vmem>>
        %dma_wait3A_147 = tpu.memref_squeeze %dma_wait3A_146 : memref<1x128x128xf32, #tpu.memory_space<vmem>> -> memref<128x128xf32, #tpu.memory_space<vmem>>
        %dma_wait3A_148 = arith.constant 0 : i32
        %dma_wait3A_149 = arith.constant 0 : i32
        %dma_wait3A_150 = tpu.memref_slice %arg2[%dma_wait3A_148, %dma_wait3A_149] : memref<10240x128xf32, #tpu.memory_space<hbm>> -> memref<128x128xf32, #tpu.memory_space<hbm>>
        %dma_wait3A_151 = arith.constant 0 : i32
        %dma_wait3A_152 = arith.constant 0 : i32
        %dma_wait3A_153 = tpu.memref_slice %arg8[%dma_wait3A_143, %dma_wait3A_151, %dma_wait3A_152] : memref<2x128x128xf32, #tpu.memory_space<vmem>> -> memref<1x128x128xf32, #tpu.memory_space<vmem>>
        %dma_wait3A_154 = tpu.memref_squeeze %dma_wait3A_153 : memref<1x128x128xf32, #tpu.memory_space<vmem>> -> memref<128x128xf32, #tpu.memory_space<vmem>>
        %dma_wait3A_155 = arith.constant 0 : i32
        %dma_wait3A_156 = arith.constant 0 : i32
        %dma_wait3A_157 = tpu.memref_slice %arg2[%dma_wait3A_155, %dma_wait3A_156] : memref<10240x128xf32, #tpu.memory_space<hbm>> -> memref<128x128xf32, #tpu.memory_space<hbm>>
        tpu.wait_dma2 semaphore(%arg12 : memref<!tpu.dma_semaphore, #tpu.memory_space<semaphore_mem>>) src(%dma_wait3A_157 : memref<128x128xf32, #tpu.memory_space<hbm>>) dst(%dma_wait3A_154 : memref<128x128xf32, #tpu.memory_space<vmem>>)
        %run_scoped3A_158 = arith.constant 1 : i32
        %run_scoped3A_159 = arith.constant 1 : i32
        %run_scoped3A_160 = arith.constant 1 : i32
        "tpu.region"() ({
          %run_scoped3A_166 = tpu.sem_alloc : memref<!tpu.dma_semaphore, #tpu.memory_space<semaphore_mem>>
          %dma_start3A_167 = arith.constant 0 : i32
          %dma_start3A_168 = arith.constant 0 : i32
          %dma_start3A_169 = tpu.memref_slice %arg8[%run_scoped3A_158, %dma_start3A_167, %dma_start3A_168] : memref<2x128x128xf32, #tpu.memory_space<vmem>> -> memref<1x128x128xf32, #tpu.memory_space<vmem>>
          %dma_start3A_170 = tpu.memref_squeeze %dma_start3A_169 : memref<1x128x128xf32, #tpu.memory_space<vmem>> -> memref<128x128xf32, #tpu.memory_space<vmem>>
          %dma_start3A_171 = arith.constant 0 : i32
          %dma_start3A_172 = tpu.memref_slice %arg7[%run_scoped3A_159, %run_scoped3A_160, %dma_start3A_171] : memref<2x2x128xi32, #tpu.memory_space<vmem>> -> memref<1x1x128xi32, #tpu.memory_space<vmem>>
          %dma_start3A_173 = tpu.memref_squeeze %dma_start3A_172 : memref<1x1x128xi32, #tpu.memory_space<vmem>> -> memref<128xi32, #tpu.memory_space<vmem>>
          %dma_start3A_174 = arith.constant 0 : i32
          %dma_start3A_175 = arith.constant 0 : i32
          %dma_start3A_176 = tpu.memref_slice %arg6[%dma_start3A_174, %dma_start3A_175] : memref<10240x128xf32, #tpu.memory_space<vmem_shared>> -> memref<10240x128xf32, #tpu.memory_space<vmem_shared>>
          tpu.enqueue_indirect_dma source(%dma_start3A_170 : memref<128x128xf32, #tpu.memory_space<vmem>>) target(%dma_start3A_176 : memref<10240x128xf32, #tpu.memory_space<vmem_shared>>) offsets(%dma_start3A_173 : memref<128xi32, #tpu.memory_space<vmem>>) semaphore(%run_scoped3A_166 : memref<!tpu.dma_semaphore, #tpu.memory_space<semaphore_mem>>) {add = true}
          %dma_wait3A_177 = arith.constant 0 : i32
          %dma_wait3A_178 = arith.constant 0 : i32
          %dma_wait3A_179 = tpu.memref_slice %arg8[%run_scoped3A_158, %dma_wait3A_177, %dma_wait3A_178] : memref<2x128x128xf32, #tpu.memory_space<vmem>> -> memref<1x128x128xf32, #tpu.memory_space<vmem>>
          %dma_wait3A_180 = tpu.memref_squeeze %dma_wait3A_179 : memref<1x128x128xf32, #tpu.memory_space<vmem>> -> memref<128x128xf32, #tpu.memory_space<vmem>>
          %dma_wait3A_181 = arith.constant 0 : i32
          %dma_wait3A_182 = tpu.memref_slice %arg7[%run_scoped3A_159, %run_scoped3A_160, %dma_wait3A_181] : memref<2x2x128xi32, #tpu.memory_space<vmem>> -> memref<1x1x128xi32, #tpu.memory_space<vmem>>
          %dma_wait3A_183 = tpu.memref_squeeze %dma_wait3A_182 : memref<1x1x128xi32, #tpu.memory_space<vmem>> -> memref<128xi32, #tpu.memory_space<vmem>>
          %dma_wait3A_184 = arith.constant 0 : i32
          %dma_wait3A_185 = arith.constant 0 : i32
          %dma_wait3A_186 = tpu.memref_slice %arg6[%dma_wait3A_184, %dma_wait3A_185] : memref<10240x128xf32, #tpu.memory_space<vmem_shared>> -> memref<10240x128xf32, #tpu.memory_space<vmem_shared>>
          tpu.wait_indirect_dma semaphore(%run_scoped3A_166 : memref<!tpu.dma_semaphore, #tpu.memory_space<semaphore_mem>>) src(%dma_wait3A_180 : memref<128x128xf32, #tpu.memory_space<vmem>>) dst(%dma_wait3A_186 : memref<10240x128xf32, #tpu.memory_space<vmem_shared>>)
          tpu.yield
        }) : () -> ()
        %lt3A_161 = arith.constant 16 : i32
        %lt3A_162 = arith.cmpi slt, %scan3A_58, %lt3A_161 : i32
        %convert_element_type3A_163 = arith.extui %lt3A_162 : i1 to i32
        %cond3A_164 = arith.constant 0 : i32
        %cond3A_165 = arith.cmpi ne, %convert_element_type3A_163, %cond3A_164 : i32
        scf.if %cond3A_165 {
          %add3A_166 = arith.constant 3 : i32
          %add3A_167 = arith.addi %mul3A_60, %add3A_166 : i32
          %add3A_168 = arith.addi %add3A_15, %add3A_167 : i32
          %dma_start3A_169 = arith.constant 1 : i32
          %dma_start3A_170 = arith.constant 0 : i32
          %dma_start3A_171 = arith.constant 0 : i32
          %dma_start3A_172 = tpu.memref_slice %arg7[%dma_start3A_169, %dma_start3A_170, %dma_start3A_171] : memref<2x2x128xi32, #tpu.memory_space<vmem>> -> memref<1x2x128xi32, #tpu.memory_space<vmem>>
          %dma_start3A_173 = tpu.memref_squeeze %dma_start3A_172 : memref<1x2x128xi32, #tpu.memory_space<vmem>> -> memref<2x128xi32, #tpu.memory_space<vmem>>
          %dma_start3A_174 = arith.constant 0 : i32
          %dma_start3A_175 = arith.constant 0 : i32
          %dma_start3A_176 = tpu.memref_slice %arg3[%add3A_168, %dma_start3A_174, %dma_start3A_175] : memref<2528x2x128xi32, #tpu.memory_space<hbm>> -> memref<1x2x128xi32, #tpu.memory_space<hbm>>
          %dma_start3A_177 = tpu.memref_squeeze %dma_start3A_176 : memref<1x2x128xi32, #tpu.memory_space<hbm>> -> memref<2x128xi32, #tpu.memory_space<hbm>>
          %dma_start3A_178 = arith.constant 0 : i32
          %dma_start3A_179 = arith.constant 0 : i32
          %dma_start3A_180 = tpu.memref_slice %arg7[%dma_start3A_169, %dma_start3A_178, %dma_start3A_179] : memref<2x2x128xi32, #tpu.memory_space<vmem>> -> memref<1x2x128xi32, #tpu.memory_space<vmem>>
          %dma_start3A_181 = tpu.memref_squeeze %dma_start3A_180 : memref<1x2x128xi32, #tpu.memory_space<vmem>> -> memref<2x128xi32, #tpu.memory_space<vmem>>
          %dma_start3A_182 = arith.constant 0 : i32
          %dma_start3A_183 = arith.constant 0 : i32
          %dma_start3A_184 = tpu.memref_slice %arg3[%add3A_168, %dma_start3A_182, %dma_start3A_183] : memref<2528x2x128xi32, #tpu.memory_space<hbm>> -> memref<1x2x128xi32, #tpu.memory_space<hbm>>
          %dma_start3A_185 = tpu.memref_squeeze %dma_start3A_184 : memref<1x2x128xi32, #tpu.memory_space<hbm>> -> memref<2x128xi32, #tpu.memory_space<hbm>>
          tpu.enqueue_dma source(%dma_start3A_185 : memref<2x128xi32, #tpu.memory_space<hbm>>) target(%dma_start3A_181 : memref<2x128xi32, #tpu.memory_space<vmem>>) target_semaphore(%arg10 : memref<!tpu.dma_semaphore, #tpu.memory_space<semaphore_mem>>)
        } else {
        }
      }
      %scan3A_57 = arith.constant 17 : i32
    } else {
    }
    %barrier3A_8 = arith.constant 0 : index
    tpu.barrier barrier_id(%barrier3A_8)
    %mul3A_9 = arith.constant 640 : i32
    %mul3A_10 = arith.muli %arg1, %mul3A_9 : i32
    %mul3A_11 = arith.constant 640 : i32
    %mul3A_12 = arith.muli %arg1, %mul3A_11 : i32
    "tpu.region"() ({
      %run_scoped3A = tpu.sem_alloc : memref<!tpu.dma_semaphore, #tpu.memory_space<semaphore_mem>>
      %dma_start3A = arith.constant 0 : i32
      %dma_start3A_13 = tpu.memref_slice %arg5[%arg0, %mul3A_12, %dma_start3A] : memref<2x10240x128xf32, #tpu.memory_space<hbm>> -> memref<1x640x128xf32, #tpu.memory_space<hbm>>
      %dma_start3A_14 = tpu.memref_squeeze %dma_start3A_13 : memref<1x640x128xf32, #tpu.memory_space<hbm>> -> memref<640x128xf32, #tpu.memory_space<hbm>>
      %dma_start3A_15 = arith.constant 0 : i32
      %dma_start3A_16 = tpu.memref_slice %arg6[%mul3A_10, %dma_start3A_15] : memref<10240x128xf32, #tpu.memory_space<vmem_shared>> -> memref<640x128xf32, #tpu.memory_space<vmem_shared>>
      tpu.enqueue_dma source(%dma_start3A_16 : memref<640x128xf32, #tpu.memory_space<vmem_shared>>) target(%dma_start3A_14 : memref<640x128xf32, #tpu.memory_space<hbm>>) target_semaphore(%run_scoped3A : memref<!tpu.dma_semaphore, #tpu.memory_space<semaphore_mem>>)
      %dma_wait3A = arith.constant 0 : i32
      %dma_wait3A_17 = tpu.memref_slice %arg5[%arg0, %mul3A_12, %dma_wait3A] : memref<2x10240x128xf32, #tpu.memory_space<hbm>> -> memref<1x640x128xf32, #tpu.memory_space<hbm>>
      %dma_wait3A_18 = tpu.memref_squeeze %dma_wait3A_17 : memref<1x640x128xf32, #tpu.memory_space<hbm>> -> memref<640x128xf32, #tpu.memory_space<hbm>>
      %dma_wait3A_19 = arith.constant 0 : i32
      %dma_wait3A_20 = tpu.memref_slice %arg6[%mul3A_10, %dma_wait3A_19] : memref<10240x128xf32, #tpu.memory_space<vmem_shared>> -> memref<640x128xf32, #tpu.memory_space<vmem_shared>>
      tpu.wait_dma2 semaphore(%run_scoped3A : memref<!tpu.dma_semaphore, #tpu.memory_space<semaphore_mem>>) src(%dma_wait3A_20 : memref<640x128xf32, #tpu.memory_space<vmem_shared>>) dst(%dma_wait3A_18 : memref<640x128xf32, #tpu.memory_space<hbm>>)
      tpu.yield
    }) : () -> ()
    return
  }
}

module attributes {stable_mosaic.version = 14 : i64} {
  func.func @_combine_body(%arg0: i32, %arg1: memref<2x1024x128xf32, #tpu.memory_space<vmem>>, %arg2: memref<2x10240xf32, #tpu.memory_space<vmem>>, %arg3: memref<1024x128xf32, #tpu.memory_space<vmem>>) attributes {dimension_semantics = [#tpu.dimension_semantics<arbitrary>], iteration_bounds = array<i64: 10>, scalar_prefetch = 0 : i64, scratch_operands = 0 : i64, tpu.core_type = #tpu.core_type<tc>, window_params = [{transform_indices = @transform_0, window_bounds = array<i64: 2, 1024, 128>}, {pipeline_mode = #tpu.pipeline_mode<synchronous>, transform_indices = @transform_1, window_bounds = array<i64: 2, 10240>}, {transform_indices = @transform_2, window_bounds = array<i64: 1024, 128>}]} {
    %get3A = arith.constant 0 : index
    %get3A_0 = arith.constant 0 : index
    %get3A_1 = arith.constant 0 : index
    %get3A_2 = vector.load %arg1[%get3A, %get3A_0, %get3A_1] : memref<2x1024x128xf32, #tpu.memory_space<vmem>>, vector<1x1024x128xf32>
    %get3A_3 = vector.shape_cast %get3A_2 : vector<1x1024x128xf32> to vector<1024x128xf32>
    %get3A_4 = arith.constant 1 : index
    %get3A_5 = arith.constant 0 : index
    %get3A_6 = arith.constant 0 : index
    %get3A_7 = vector.load %arg1[%get3A_4, %get3A_5, %get3A_6] : memref<2x1024x128xf32, #tpu.memory_space<vmem>>, vector<1x1024x128xf32>
    %get3A_8 = vector.shape_cast %get3A_7 : vector<1x1024x128xf32> to vector<1024x128xf32>
    %add3A = arith.addf %get3A_3, %get3A_8 : vector<1024x128xf32>
    %mul3A = arith.constant 1024 : i32
    %mul3A_9 = arith.muli %arg0, %mul3A : i32
    %get3A_10 = arith.constant 0 : index
    %get3A_11 = arith.index_cast %mul3A_9 : i32 to index
    %get3A_12 = vector.load %arg2[%get3A_10, %get3A_11] : memref<2x10240xf32, #tpu.memory_space<vmem>>, vector<1x1024xf32>
    %get3A_13 = vector.shape_cast %get3A_12 : vector<1x1024xf32> to vector<1024xf32>
    %mul3A_14 = arith.constant 1024 : i32
    %mul3A_15 = arith.muli %arg0, %mul3A_14 : i32
    %get3A_16 = arith.constant 1 : index
    %get3A_17 = arith.index_cast %mul3A_15 : i32 to index
    %get3A_18 = vector.load %arg2[%get3A_16, %get3A_17] : memref<2x10240xf32, #tpu.memory_space<vmem>>, vector<1x1024xf32>
    %get3A_19 = vector.shape_cast %get3A_18 : vector<1x1024xf32> to vector<1024xf32>
    %add3A_20 = arith.addf %get3A_13, %get3A_19 : vector<1024xf32>
    %jit3A = arith.constant 1.000000e+00 : f32
    %max3A = vector.broadcast %jit3A : f32 to vector<1024xf32>
    %max3A_21 = arith.maximumf %max3A, %add3A_20 : vector<1024xf32>
    %broadcast_in_dim3A = vector.shape_cast %max3A_21 : vector<1024xf32> to vector<1024x1xf32>
    %div3A = vector.broadcast %broadcast_in_dim3A : vector<1024x1xf32> to vector<1024x128xf32>
    %div3A_22 = arith.divf %add3A, %div3A : vector<1024x128xf32>
    %swap3A = arith.constant 0 : index
    %swap3A_23 = arith.constant 0 : index
    %swap3A_24 = vector.load %arg3[%swap3A, %swap3A_23] : memref<1024x128xf32, #tpu.memory_space<vmem>>, vector<1024x128xf32>
    tpu.vector_store %arg3[%swap3A, %swap3A_23], %div3A_22 {strides = array<i32>} : memref<1024x128xf32, #tpu.memory_space<vmem>>, vector<1024x128xf32>,
    return
  }
  func.func @transform_0(%arg0: i32) -> (i32, i32, i32) {
    %c0_i32 = arith.constant 0 : i32
    %c0_i32_0 = arith.constant 0 : i32
    %c0_i32_1 = arith.constant 0 : i32
    return %c0_i32, %arg0, %c0_i32_0 : i32, i32, i32
  }
  func.func @transform_1(%arg0: i32) -> (i32, i32) {
    %c0_i32 = arith.constant 0 : i32
    %c0_i32_0 = arith.constant 0 : i32
    %c0_i32_1 = arith.constant 0 : i32
    return %c0_i32, %c0_i32_0 : i32, i32
  }
  func.func @transform_2(%arg0: i32) -> (i32, i32) {
    %c0_i32 = arith.constant 0 : i32
    %c0_i32_0 = arith.constant 0 : i32
    return %arg0, %c0_i32 : i32, i32
  }
}

module attributes {stable_mosaic.version = 14 : i64} {
  func.func @_final_body(%arg0: i32, %arg1: memref<1024x128xf32, #tpu.memory_space<vmem>>, %arg2: memref<1024x128xf32, #tpu.memory_space<vmem>>, %arg3: memref<2x1024x128xf32, #tpu.memory_space<vmem>>, %arg4: memref<2x10240xf32, #tpu.memory_space<vmem>>, %arg5: memref<384x128xf32, #tpu.memory_space<vmem>>, %arg6: memref<1x128xf32, #tpu.memory_space<vmem>>, %arg7: memref<1024x128xf32, #tpu.memory_space<vmem>>) attributes {dimension_semantics = [#tpu.dimension_semantics<arbitrary>], iteration_bounds = array<i64: 10>, scalar_prefetch = 0 : i64, scratch_operands = 0 : i64, tpu.core_type = #tpu.core_type<tc>, window_params = [{transform_indices = @transform_0, window_bounds = array<i64: 1024, 128>}, {transform_indices = @transform_1, window_bounds = array<i64: 1024, 128>}, {transform_indices = @transform_2, window_bounds = array<i64: 2, 1024, 128>}, {pipeline_mode = #tpu.pipeline_mode<synchronous>, transform_indices = @transform_3, window_bounds = array<i64: 2, 10240>}, {pipeline_mode = #tpu.pipeline_mode<synchronous>, transform_indices = @transform_4, window_bounds = array<i64: 384, 128>}, {pipeline_mode = #tpu.pipeline_mode<synchronous>, transform_indices = @transform_5, window_bounds = array<i64: 1, 128>}, {transform_indices = @transform_6, window_bounds = array<i64: 1024, 128>}]} {
    %mul3A = arith.constant 1024 : i32
    %mul3A_0 = arith.muli %arg0, %mul3A : i32
    %get3A = arith.constant 0 : index
    %get3A_1 = arith.index_cast %mul3A_0 : i32 to index
    %get3A_2 = vector.load %arg4[%get3A, %get3A_1] : memref<2x10240xf32, #tpu.memory_space<vmem>>, vector<1x1024xf32>
    %get3A_3 = vector.shape_cast %get3A_2 : vector<1x1024xf32> to vector<1024xf32>
    %mul3A_4 = arith.constant 1024 : i32
    %mul3A_5 = arith.muli %arg0, %mul3A_4 : i32
    %get3A_6 = arith.constant 1 : index
    %get3A_7 = arith.index_cast %mul3A_5 : i32 to index
    %get3A_8 = vector.load %arg4[%get3A_6, %get3A_7] : memref<2x10240xf32, #tpu.memory_space<vmem>>, vector<1x1024xf32>
    %get3A_9 = vector.shape_cast %get3A_8 : vector<1x1024xf32> to vector<1024xf32>
    %add3A = arith.addf %get3A_3, %get3A_9 : vector<1024xf32>
    %jit3A = arith.constant 1.000000e+00 : f32
    %max3A = vector.broadcast %jit3A : f32 to vector<1024xf32>
    %max3A_10 = arith.maximumf %max3A, %add3A : vector<1024xf32>
    %get3A_11 = arith.constant 0 : index
    %get3A_12 = arith.constant 0 : index
    %get3A_13 = arith.constant 0 : index
    %get3A_14 = vector.load %arg3[%get3A_11, %get3A_12, %get3A_13] : memref<2x1024x128xf32, #tpu.memory_space<vmem>>, vector<1x1024x128xf32>
    %get3A_15 = vector.shape_cast %get3A_14 : vector<1x1024x128xf32> to vector<1024x128xf32>
    %get3A_16 = arith.constant 1 : index
    %get3A_17 = arith.constant 0 : index
    %get3A_18 = arith.constant 0 : index
    %get3A_19 = vector.load %arg3[%get3A_16, %get3A_17, %get3A_18] : memref<2x1024x128xf32, #tpu.memory_space<vmem>>, vector<1x1024x128xf32>
    %get3A_20 = vector.shape_cast %get3A_19 : vector<1x1024x128xf32> to vector<1024x128xf32>
    %add3A_21 = arith.addf %get3A_15, %get3A_20 : vector<1024x128xf32>
    %broadcast_in_dim3A = vector.shape_cast %max3A_10 : vector<1024xf32> to vector<1024x1xf32>
    %div3A = vector.broadcast %broadcast_in_dim3A : vector<1024x1xf32> to vector<1024x128xf32>
    %div3A_22 = arith.divf %add3A_21, %div3A : vector<1024x128xf32>
    %get3A_23 = arith.constant 0 : index
    %get3A_24 = arith.constant 0 : index
    %get3A_25 = vector.load %arg1[%get3A_23, %get3A_24] : memref<1024x128xf32, #tpu.memory_space<vmem>>, vector<1024x128xf32>
    %get3A_26 = arith.constant 0 : index
    %get3A_27 = arith.constant 0 : index
    %get3A_28 = vector.load %arg5[%get3A_26, %get3A_27] : memref<384x128xf32, #tpu.memory_space<vmem>>, vector<128x128xf32>
    %dot_general3A = arith.constant dense<0.000000e+00> : vector<1024x128xf32>
    %dot_general3A_29 = tpu.matmul %get3A_25, %get3A_28, %dot_general3A {dimension_numbers = #tpu.dot_dimension_numbers<[1], [0], [0], [1], [0, 0, 1, 1], [], []>, precision = #tpu.contract_precision<fp32>, transpose_lhs_hint = false} : vector<1024x128xf32>, vector<128x128xf32>, vector<1024x128xf32> -> vector<1024x128xf32>
    %get3A_30 = arith.constant 0 : index
    %get3A_31 = arith.constant 0 : index
    %get3A_32 = vector.load %arg2[%get3A_30, %get3A_31] : memref<1024x128xf32, #tpu.memory_space<vmem>>, vector<1024x128xf32>
    %get3A_33 = arith.constant 128 : index
    %get3A_34 = arith.constant 0 : index
    %get3A_35 = vector.load %arg5[%get3A_33, %get3A_34] : memref<384x128xf32, #tpu.memory_space<vmem>>, vector<128x128xf32>
    %dot_general3A_36 = arith.constant dense<0.000000e+00> : vector<1024x128xf32>
    %dot_general3A_37 = tpu.matmul %get3A_32, %get3A_35, %dot_general3A_36 {dimension_numbers = #tpu.dot_dimension_numbers<[1], [0], [0], [1], [0, 0, 1, 1], [], []>, precision = #tpu.contract_precision<fp32>, transpose_lhs_hint = false} : vector<1024x128xf32>, vector<128x128xf32>, vector<1024x128xf32> -> vector<1024x128xf32>
    %add3A_38 = arith.addf %dot_general3A_29, %dot_general3A_37 : vector<1024x128xf32>
    %get3A_39 = arith.constant 256 : index
    %get3A_40 = arith.constant 0 : index
    %get3A_41 = vector.load %arg5[%get3A_39, %get3A_40] : memref<384x128xf32, #tpu.memory_space<vmem>>, vector<128x128xf32>
    %dot_general3A_42 = arith.constant dense<0.000000e+00> : vector<1024x128xf32>
    %dot_general3A_43 = tpu.matmul %div3A_22, %get3A_41, %dot_general3A_42 {dimension_numbers = #tpu.dot_dimension_numbers<[1], [0], [0], [1], [0, 0, 1, 1], [], []>, precision = #tpu.contract_precision<fp32>, transpose_lhs_hint = false} : vector<1024x128xf32>, vector<128x128xf32>, vector<1024x128xf32> -> vector<1024x128xf32>
    %add3A_44 = arith.addf %add3A_38, %dot_general3A_43 : vector<1024x128xf32>
    %get3A_45 = arith.constant 0 : index
    %get3A_46 = arith.constant 0 : index
    %get3A_47 = vector.load %arg6[%get3A_45, %get3A_46] : memref<1x128xf32, #tpu.memory_space<vmem>>, vector<1x128xf32>
    %add3A_48 = vector.broadcast %get3A_47 : vector<1x128xf32> to vector<1024x128xf32>
    %add3A_49 = arith.addf %add3A_44, %add3A_48 : vector<1024x128xf32>
    %swap3A = arith.constant 0 : index
    %swap3A_50 = arith.constant 0 : index
    %swap3A_51 = vector.load %arg7[%swap3A, %swap3A_50] : memref<1024x128xf32, #tpu.memory_space<vmem>>, vector<1024x128xf32>
    tpu.vector_store %arg7[%swap3A, %swap3A_50], %add3A_49 {strides = array<i32>} : memref<1024x128xf32, #tpu.memory_space<vmem>>, vector<1024x128xf32>,
    return
  }
  func.func @transform_0(%arg0: i32) -> (i32, i32) {
    %c0_i32 = arith.constant 0 : i32
    %c0_i32_0 = arith.constant 0 : i32
    return %arg0, %c0_i32 : i32, i32
  }
  func.func @transform_1(%arg0: i32) -> (i32, i32) {
    %c0_i32 = arith.constant 0 : i32
    %c0_i32_0 = arith.constant 0 : i32
    return %arg0, %c0_i32 : i32, i32
  }
  func.func @transform_2(%arg0: i32) -> (i32, i32, i32) {
    %c0_i32 = arith.constant 0 : i32
    %c0_i32_0 = arith.constant 0 : i32
    %c0_i32_1 = arith.constant 0 : i32
    return %c0_i32, %arg0, %c0_i32_0 : i32, i32, i32
  }
  func.func @transform_3(%arg0: i32) -> (i32, i32) {
    %c0_i32 = arith.constant 0 : i32
    %c0_i32_0 = arith.constant 0 : i32
    %c0_i32_1 = arith.constant 0 : i32
    return %c0_i32, %c0_i32_0 : i32, i32
  }
  func.func @transform_4(%arg0: i32) -> (i32, i32) {
    %c0_i32 = arith.constant 0 : i32
    %c0_i32_0 = arith.constant 0 : i32
    %c0_i32_1 = arith.constant 0 : i32
    return %c0_i32, %c0_i32_0 : i32, i32
  }
  func.func @transform_5(%arg0: i32) -> (i32, i32) {
    %c0_i32 = arith.constant 0 : i32
    %c0_i32_0 = arith.constant 0 : i32
    %c0_i32_1 = arith.constant 0 : i32
    return %c0_i32, %c0_i32_0 : i32, i32
  }
  func.func @transform_6(%arg0: i32) -> (i32, i32) {
    %c0_i32 = arith.constant 0 : i32
    %c0_i32_0 = arith.constant 0 : i32
    return %arg0, %c0_i32 : i32, i32
  }
}

</mosaic_0001>

<sc_bundles>
// kernel: kernel.6.cloned.1.call-start
scs
__scs_entry_jumppad:
0x0: {  	(pc) =	sbr.rel $0x88, $3  }
0x1: {  	(tag) =	ssettag $0x0;
	lr =	simm.s32 $0x1  }
0x2: {  	[smem:$0x3F9D] =	sst lr;
	_ =	strace $0xD0000000  }
0x3: {  	_ = 	snop  }
0x4: {  	_ = 	snop  }
0x5: {  	_ = 	snop  }
0x6: {  	_ = 	snop  }
0x7: {  	_ = 	snop  }
__scs_overlays_trampoline_lowered:
0x8: {  	[smem:$0x3FAC] =	sst s0  }
0x9: {  	[smem:$0x3FAD] =	sst s1  }
0xa: {  	[smem:$0x3FAE] =	sst s2  }
0xb: {  	[smem:$0x3FAF] =	sst s3  }
0xc: {  	[smem:$0x3FB0] =	sst s4  }
0xd: {  	[smem:$0x3FB1] =	sst s5  }
0xe: {  	[smem:$0x3FB2] =	sst s6  }
0xf: {  	[smem:$0x3FB3] =	sst s7  }
0x10: {  	[smem:$0x3FB4] =	sst s8  }
0x11: {  	[smem:$0x3FB5] =	sst s9;
	s0 =	simm.s32 @!p0 $0x0  }
0x12: {  	s1 =	sld [smem:$0x3F9B];
	s0 =	simm.s32 @p0 $0x1  }
0x13: {  	[smem:$0x3FB6] =	sst s0;
	s0 =	simm.s32 @!p1 $0x0  }
0x14: {  	s2 =	sld [smem:$0x3F9A];
	s0 =	simm.s32 @p1 $0x1  }
0x15: {  	[smem:$0x3FB7] =	sst s0;
	s0 =	simm.s32 @!p2 $0x0  }
0x16: {  	s3 =	sld [smem:$0x3FDB];
	s0 =	simm.s32 @p2 $0x1  }
0x17: {  	s4 =	simm.s32 $0x1BF5;
	[smem:$0x3FB9] =	sst s0  }
0x18: {  	s0 =	sld [smem:$0x3F9C];
	_ =	swait.ge [sflag:s4], $0x0  }
0x19: {  	s7 =	sld [smem:$0x3F9D]  }
0x1a: {  	s8 =	sadd.s32 $0xFFFFE003, lr  }
0x1b: {  	s9 =	sadd.s32 $0xFFFFFEF7, lr;
	s5 =	simm.s32 $0xFFFFFFFF;
	p2 =	slt.u32 s8, $0xFFFFF086  }
0x1c: {  	p1 =	slt.u32 s9, $0xF7A;
	s5 =	simm.s32 @!p2 $0x0  }
0x1d: {  	s5 =	simm.s32 @p1 $0x1;
	p0 =	seq.s32 s7, s2  }
0x1e: {  	s7 =	smul.u32 @!p0 $0xF7A, s2;
	p2 =	seq.s32 @!p0 s5, $0x0  }
0x1f: {  	s9 =	smul.u32 $0xF7A, s1;
	s8 =	simm.s32 @!p0 $0x1BF5;
	p2 =	por !p2, p0  }
0x20: {  	[sflag:s8] =	ssyncset.s32 @!p0 $0xFFFFF086;
	s6 =	sadd.s32 @!p0 s3, s7;
	s7 =	simm.s32 @!p0 $0x108  }
0x21: {  	s3 =	sadd.s32 s3, s9;
	s6 =	sadd.s32 @!p0 $0x88, s6;
	s7 =	simm.s32 @p2 $0x1082  }
0x22: {  	[simem:s7], [sflag:s8] =	dma.local @!p0 [hbm:s6], $0xF7A  }
0x23: {  	s9 =	sor.u32 $0xD0000000, s2;
	s6 =	simm.s32 $0x108;
	_ =	swait.ge @!p0 [sflag:s8], $0x0  }
0x24: {  	s3 =	sadd.s32 $0x88, s3;
	s6 =	simm.s32 @!p1 $0x1082;
	[sflag:s4] =	ssyncset.s32 $0xFFFFF086  }
0x25: {  	[simem:s6], [sflag:s4] =	dma.local [hbm:s3], $0xF7A  }
0x26: {  	[smem:$0x3F9D] =	sst s1;
	(tag) =	ssettag s2;
	_ =	strace s9  }
0x27: {  	s1 =	sld [smem:$0x3FAD]  }
0x28: {  	s2 =	sld [smem:$0x3FAE]  }
0x29: {  	s4 =	sld [smem:$0x3FB0]  }
0x2a: {  	p0 =	seq.s32 s5, $0x0;
	s5 =	sld [smem:$0x3FB1]  }
0x2b: {  	s6 =	sld [smem:$0x3FB2]  }
0x2c: {  	s7 =	sld [smem:$0x3FB3]  }
0x2d: {  	s3 =	simm.s32 $0x108;
	s8 =	sld [smem:$0x3FB4]  }
0x2e: {  	s3 =	simm.s32 @!p0 $0x1082;
	s9 =	sld [smem:$0x3FB5]  }
0x2f: {  	lr =	sadd.s32 s0, s3;
	s0 =	sld [smem:$0x3FAC]  }
0x30: {  	s3 =	sld [smem:$0x3FAF]  }
0x31: {  	[smem:$0x3FB8] =	sst s10  }
0x32: {  	s10 =	sld [smem:$0x3FB6];
	_ =	sdelay $0x3  }
0x33: {  	p0 =	seq.s32 s10, $0x1;
	s10 =	sld [smem:$0x3FB8];
	_ =	sdelay $0x3  }
0x34: {  	[smem:$0x3FB8] =	sst s10  }
0x35: {  	s10 =	sld [smem:$0x3FB7];
	_ =	sdelay $0x3  }
0x36: {  	p1 =	seq.s32 s10, $0x1;
	s10 =	sld [smem:$0x3FB8];
	_ =	sdelay $0x3  }
0x37: {  	[smem:$0x3FB8] =	sst s10  }
0x38: {  	s10 =	sld [smem:$0x3FB9]  }
0x39: {  	_ = 	snop;
	(pc) =	sbr.ind lr, $3  }
0x3a: {  	_ = 	snop  }
0x3b: {  	_ = 	snop  }
0x3c: {  	p2 =	seq.s32 s10, $0x1;
	s10 =	sld [smem:$0x3FB8]  }
0x3d: {  	_ =	shalt  }
0x3e: {  	_ =	shalt  }
0x3f: {  	_ =	shalt  }
0x40: {  	_ =	shalt  }
0x41: {  	_ =	shalt  }
0x42: {  	_ =	shalt  }
0x43: {  	_ =	shalt  }
0x44: {  	_ =	shalt  }
0x45: {  	_ =	shalt  }
0x46: {  	_ =	shalt  }
0x47: {  	_ =	shalt  }
0x48: {  	_ =	shalt  }
0x49: {  	_ =	shalt  }
0x4a: {  	_ =	shalt  }
0x4b: {  	_ =	shalt  }
0x4c: {  	_ =	shalt  }
0x4d: {  	_ =	shalt  }
0x4e: {  	_ =	shalt  }
0x4f: {  	_ =	shalt  }
0x50: {  	_ =	shalt  }
0x51: {  	_ =	shalt  }
0x52: {  	_ =	shalt  }
0x53: {  	_ =	shalt  }
0x54: {  	_ =	shalt  }
0x55: {  	_ =	shalt  }
0x56: {  	_ =	shalt  }
0x57: {  	_ =	shalt  }
0x58: {  	_ =	shalt  }
0x59: {  	_ =	shalt  }
0x5a: {  	_ =	shalt  }
0x5b: {  	_ =	shalt  }
0x5c: {  	_ =	shalt  }
0x5d: {  	_ =	shalt  }
0x5e: {  	_ =	shalt  }
0x5f: {  	_ =	shalt  }
0x60: {  	_ =	shalt  }
0x61: {  	_ =	shalt  }
0x62: {  	_ =	shalt  }
0x63: {  	_ =	shalt  }
0x64: {  	_ =	shalt  }
0x65: {  	_ =	shalt  }
0x66: {  	_ =	shalt  }
0x67: {  	_ =	shalt  }
0x68: {  	_ =	shalt  }
0x69: {  	_ =	shalt  }
0x6a: {  	_ =	shalt  }
0x6b: {  	_ =	shalt  }
0x6c: {  	_ =	shalt  }
0x6d: {  	_ =	shalt  }
0x6e: {  	_ =	shalt  }
0x6f: {  	_ =	shalt  }
0x70: {  	_ =	shalt  }
0x71: {  	_ =	shalt  }
0x72: {  	_ =	shalt  }
0x73: {  	_ =	shalt  }
0x74: {  	_ =	shalt  }
0x75: {  	_ =	shalt  }
0x76: {  	_ =	shalt  }
0x77: {  	_ =	shalt  }
0x78: {  	_ =	shalt  }
0x79: {  	_ =	shalt  }
0x7a: {  	_ =	shalt  }
0x7b: {  	_ =	shalt  }
0x7c: {  	_ =	shalt  }
0x7d: {  	_ =	shalt  }
0x7e: {  	_ =	shalt  }
0x7f: {  	_ =	shalt  }
0x80: {  	_ =	shalt  }
0x81: {  	_ =	shalt  }
0x82: {  	_ =	shalt  }
0x83: {  	_ =	shalt  }
0x84: {  	_ =	shalt  }
0x85: {  	_ =	shalt  }
0x86: {  	_ =	shalt  }
0x87: {  	_ =	shalt  }
.Lfunc_end0:
.L_simem_size_0:
called_computation_lowered:
.L_overlay_start_0:
0x88: {  	s2 =	sld [smem:$0x3FD9]  }
0x89: {  	s3 =	sld [smem:$0x3FFE];
	_ =	sdelay $0x1  }
0x8a: {  	s1 =	srdreg.scid  }
0x8b: {  	s0 =	sand.u32 $0x1, s1  }
0x8c: {  	s17 =	sshll.u32 s0, $0xA;
	s2 =	sadd.s32 s3, s2  }
0x8d: {  	s2 =	sadd.s32 s2, s17  }
0x8e: {  	[smem:$0x3FC4] =	sst s2  }
0x8f: {  	_ = 	snop  }
0x90: {  	s2 =	sld [smem:$0x3FD0];
	(tm) =	ssettm $0x1  }
0x91: {  	s18 =	sld [smem:$0x3FFB];
	_ =	sdelay $0x3  }
0x92: {  	_ =	strace s18  }
0x93: {  	s3 =	sld [smem:$0x3FFC];
	_ =	sdelay $0x3  }
0x94: {  	_ =	strace s3  }
0x95: {  	s3 =	sld [smem:$0x3FFD];
	_ =	sdelay $0x3  }
0x96: {  	_ =	strace s3  }
0x97: {  	_ =	strace $0x8FFFFFFF  }
0x98: {  	s19 =	sld [smem:$0x3FDB];
	_ =	sdelay $0x1  }
0x99: {  	s4 =	simm.s32 $_scs_section_size  }
0x9a: {  	s5 =	simm.s32 $_size__tile_overlayer_lowered;
	s6 =	simm.s32 $_tile_overlayer_lowered  }
0x9b: {  	s22 =	simm.s32 $0x1BFF;
	s21 =	sshll.u32 s6, $0x1;
	s3 =	sadd.s32 s4, s19  }
0x9c: {  	s7 =	simm.s32 $0x0;
	s20 =	sshll.u32 s5, $0x1;
	s5 =	sadd.s32 s21, s3  }
0x9d: {  	[timem:s7], [sflag:s22] =	dma.local [hbm:s5], s20  }
0x9e: {  	_ =	swait.ge [sflag:s22], s20  }
0x9f: {  	s4 =	ssub.s32 $0x0, s20;
	[sflag:s22] =	ssyncset.done $0x0  }
0xa0: {  	[sflag:s22] =	ssyncadd.s32 s4;
	_ =	sdelay $0x1  }
0xa1: {  	s23 =	simm.s32 $0x1B8B  }
0xa2: {  	_ =	swait.ge [sflag:s23], $0x1  }
0xa3: {  	[sflag:s23] =	ssyncset.done $0x0  }
0xa4: {  	s25 =	simm.s32 $0x1B8E;
	s24 =	sld [smem:$0x3FFE];
	[sflag:s23] =	ssyncadd.s32 $0xFFFFFFFF  }
0xa5: {  	s26 =	simm.s32 $execute0_lowered;
	[smem:$0x3FD2] =	sst s25  }
0xa6: {  	s5 =	sshll.u32 s26, $0x1;
	_ =	strace $0x80000046;
	[dreg:$0x1] =	wrdreg $0xFFFFFFFF  }
0xa7: {  	s28 =	simm.s32 $_size_execute0_lowered;
	s3 =	sadd.s32 s3, s5;
	[dreg:$0x0] =	wrdreg $0x0  }
0xa8: {  	s5 =	sshll.u32 s28, $0x1;
	[dreg:$0x2] =	wrdreg s3  }
0xa9: {  	[dreg:$0x3] =	wrdreg s5  }
0xaa: {  	[dreg:$0x4] =	wrdreg $0xC0  }
0xab: {  	_ =	task [dreg:s7], $0x5FFFF  }
0xac: {  	[dreg:$0x1] =	wrdreg $0xFFFFFFFF  }
0xad: {  	[dreg:$0x0] =	wrdreg $0x60  }
0xae: {  	[dreg:$0x2] =	wrdreg s24  }
0xaf: {  	[dreg:$0x3] =	wrdreg s2  }
0xb0: {  	[dreg:$0x4] =	wrdreg $0x0  }
0xb1: {  	[dreg:$0x5] =	wrdreg $0x1C2000  }
0xb2: {  	[dreg:$0x6] =	wrdreg $0x9  }
0xb3: {  	_ =	task.clear_ibuf [dreg:s7], $0x7FFFF;
	_ =	strace $0x90000046  }
0xb4: {  	s29 =	simm.s32 $0x9;
	_ =	strace $0x80000048  }
0xb5: {  	_ =	swait.ge [sflag:s29], $0x1  }
0xb6: {  	[sflag:s29] =	ssyncadd.s32 $0xFFFFFFFF  }
0xb7: {  	_ =	strace $0x90000048  }
0xb8: {  	_ =	sfence  }
0xb9: {  	s30 =	sld [smem:$0x0];
	_ =	sdelay $0x2  }
0xba: {  	s31 =	sshll.u32 s1, $0xD;
	s1 =	sshrl.u32 s1, $0x2  }
0xbb: {  	s3 =	sand.u32 $0x4000, s31;
	s1 =	sadd.s32 s1, s30  }
0xbc: {  	s0 =	sor.u32 s3, s0;
	s1 =	sshll.u32 s1, $0x11  }
0xbd: {  	s0 =	sor.u32 s1, s0  }
0xbe: {  	s0 =	sadd.s32 $0x8F2B, s0  }
0xbf: {  	[sflag:s0] =	ssyncadd.remote.s32 $0x1  }
0xc0: {  	_ =	sfence.sel $0xFFFF  }
0xc1: {  	[dreg:$0x0] =	wrdreg $0xFFFFFFFF;
	(pc) =	sbr.abs _section_cstart, $3  }
0xc2: {  	[dreg:$0x1] =	wrdreg $0xFFFFFFFF  }
0xc3: {  	_ =	task.clear_ibuf [dreg:s7], $0x2FFFF;
	_ =	strace $0x9FFFFFFF  }
0xc4: {  	(tm) =	ssettm $0x7FFFFFFF  }
0xc5: {  	_ =	shalt  }
tec
execute0_lowered:
.L_overlay_start_1:
0x0: {  	(tag) =	ssettag $0x1  }
0x1: {  	s0 =	rddreg [dreg:$0x0]  }
0x2: {  	s3 =	rddreg [dreg:$0x1];
	s6 =	stileid.u32  }
0x3: {  	s1 =	rddreg [dreg:$0x2];
	s8 =	smul.u32 $0x14000, s6  }
0x4: {  	s2 =	rddreg [dreg:$0x3];
	s18 =	smul.u32 $0x500, s6  }
0x5: {  	s4 =	srdreg.scid;
	s28 =	simm.s32 $0x2;
	s20 =	smul.u32 $0x50000, s6  }
0x6: {  	s29 =	simm.s32 $0x18200;
	s30 =	simm.s32 $0x3;
	s14 =	smul.u32 $0xA00, s6  }
0x7: {  	s31 =	simm.s32 $0x14080;
	s10 =	sand.u32 $0x1, s4;
	s23 =	smul.u32 $0xF80, s6  }
0x8: {  	s4 =	simm.s32 $0x0;
	s5 =	sadd.s32 $0x2200, s0;
	s15 =	smul.u32 $0x2200, s6  }
0x9: {  	s9 =	sadd.s32 $0x2A600, s0;
	s24 =	sshll.u32 s6, $0x6;
	s16 =	smul.u32 $0x440, s6  }
0xa: {  	s7 =	smul.u32 $0x140000, s10;
	[smem:$0x7FF] =	sst s4;
	s12 =	sshll.u32 s10, $0x7  }
0xb: {  	s19 =	ssub.s32 $0x2, s10;
	p0 =	seq.s32 s10, $0x1;
	_ =	strace $0x80000047  }
0xc: {  	[dreg:$0x5] =	wrdreg s9;
	s9 =	sor.u32 s12, s18;
	s21 =	sshrl.u32 s19, $0x1  }
0xd: {  	s22 =	sshrl.u32 s20, $0x2;
	s14 =	sshrl.u32 s14, $0x2;
	s15 =	sshrl.u32 s15, $0x3  }
0xe: {  	s10 =	sadd.s32 s3, s23;
	s23 =	simm.s32 $0x14100;
	s8 =	sadd.s32 s8, s7  }
0xf: {  	s7 =	sadd.s32 $0x2A400, s0;
	s9 =	sshrl.u32 s9, $0x3;
	s17 =	ssub.s32 s19, s21  }
0x10: {  	s12 =	sadd.s32 s22, s1;
	s14 =	sadd.s32 s14, s2;
	s25 =	sadd.s32 $0x20, s10  }
0x11: {  	s19 =	simm.s32 $0x5;
	s21 =	simm.s32 $0x1C480;
	s22 =	simm.s32 $0x14000  }
0x12: {  	s11 =	sshrl.u32 s8, $0x3;
	s8 =	sadd.s32 $0x2A200, s0;
	[dreg:$0x6] =	wrdreg s25  }
0x13: {  	s17 =	smax.u32 s17, $0x1;
	s18 =	sshrl.u32 s12, $0x3;
	s20 =	sshrl.u32 s14, $0x3  }
0x14: {  	s25 =	simm.s32 $0x80;
	s14 =	simm.s32 $0x0;
	s13 =	sadd.s32 s11, s0  }
.Ltmp0:
0x15: {  	s0 =	sadd.s32 s9, s0;
	s9 =	sor.u32 $0x1C05, s24;
	(pc) =	sbr.rel .LBB2_1-.Ltmp0, $4  }
0x16: {  	s11 =	sadd.s32 s16, s3;
	s3 =	sadd.s32 s3, s15;
	s24 =	simm.s32 $0x1  }
0x17: {  	s26 =	sadd.s32 $0xF800, s11;
	s3 =	sadd.s32 $0xF820, s3;
	s15 =	sadd.s32 $0x2CE00, s13  }
0x18: {  	s16 =	sadd.s32 $0x7CE00, s0;
	s0 =	simm.s32 $0x4;
	[dreg:$0x7] =	wrdreg s26  }
0x19: {  	[dreg:$0x8] =	wrdreg s3;
	s26 =	simm.s32 $0x14200;
	s3 =	simm.s32 $0x14180  }
.LBB2_7:
0x1a: {  	[tilespmem:s23], [sflag:$0x2] =	stream.linear.gather [hbm4b:s13+s4], $0x100, $0x38;
	[tilespmem:$0x1C500] =	vst v63  }
.LBB2_8:
0x1b: {  	_ =	swait.ge [sflag:s24], $0x100  }
0x1c: {  	[sflag:s24] =	ssyncset.done $0x0  }
0x1d: {  	[sflag:s24] =	ssyncadd.s32 $0xFFFFFF00  }
0x1e: {  	[tilespmem:s26], [sflag:$0x3] =	stream.indirect.gather [hbm4b:s5+s25], $0x80, s22, s25, $0xb8;
	[tilespmem:$0x1C500] =	vst v63  }
0x1f: {  	_ =	swait.ge [sflag:s28], $0x100  }
0x20: {  	[sflag:s28] =	ssyncset.done $0x0  }
0x21: {  	[sflag:s28] =	ssyncadd.s32 $0xFFFFFF00  }
0x22: {  	[tilespmem:s29], [sflag:$0x4] =	stream.indirect.gather [hbm4b:s5+s25], $0x80, s23, s25, $0xb8;
	[tilespmem:$0x1C500] =	vst v63  }
0x23: {  	_ =	swait.ge [sflag:s30], $0x4000  }
0x24: {  	[sflag:s30] =	ssyncset.done $0x0  }
0x25: {  	[sflag:s30] =	ssyncadd.s32 $0xFFFFC000  }
0x26: {  	[spmem:s1] =	stream.indirect.scatter.add.f32 [tilespmem:s26], [sflag:$0x5], $0x80, s31, s25, $0xb8;
	[tilespmem:$0x1C500] =	vst v63  }
0x27: {  	_ =	swait.ge [sflag:s19], $0x4000  }
0x28: {  	[sflag:s19] =	ssyncset.done $0x0  }
0x29: {  	[sflag:s19] =	ssyncadd.s32 $0xFFFFC000  }
0x2a: {  	[spmem:s2] =	stream.indirect.scatter.add.f32 [tilespmem:s21], [sflag:$0x5], $0x1, s31, s25, $0xb8;
	[tilespmem:$0x1C500] =	vst v63  }
0x2b: {  	_ =	swait.ge [sflag:s19], $0x80  }
0x2c: {  	[sflag:s19] =	ssyncset.done $0x0  }
0x2d: {  	[sflag:s19] =	ssyncadd.s32 $0xFFFFFF80  }
0x2e: {  	_ =	swait.ge [sflag:s0], $0x4000  }
0x2f: {  	[sflag:s0] =	ssyncset.done $0x0  }
0x30: {  	[sflag:s0] =	ssyncadd.s32 $0xFFFFC000  }
0x31: {  	[spmem:s1] =	stream.indirect.scatter.add.f32 [tilespmem:s29], [sflag:$0x5], $0x80, s3, s25, $0xb8;
	[tilespmem:$0x1C500] =	vst v63  }
0x32: {  	_ =	swait.ge [sflag:s19], $0x4000  }
0x33: {  	[sflag:s19] =	ssyncset.done $0x0  }
0x34: {  	[sflag:s19] =	ssyncadd.s32 $0xFFFFC000  }
0x35: {  	[spmem:s2] =	stream.indirect.scatter.add.f32 [tilespmem:s21], [sflag:$0x5], $0x1, s3, s25, $0xb8;
	[tilespmem:$0x1C500] =	vst v63  }
0x36: {  	_ =	swait.ge [sflag:s19], $0x80  }
0x37: {  	[sflag:s19] =	ssyncset.done $0x0  }
0x38: {  	[sflag:s19] =	ssyncadd.s32 $0xFFFFFF80  }
0x39: {  	[bflag:$0x0] =	sbarrier.arrive $0xFFFF  }
0x3a: {  	[hbm:s15], [sflag:s9] =	dma.local [spmem:s18], $0x2800  }
0x3b: {  	s14 =	sadd.s32 $0x1, s14;
	_ =	swait.ge [sflag:s19], $0x2800  }
0x3c: {  	s6 =	simm.s32 $0x20;
	p1 =	sne.s32 s14, s17;
	[sflag:s19] =	ssyncset.done $0x0  }
.Ltmp1:
0x3d: {  	s12 =	simm.s32 $0x10;
	[sflag:s19] =	ssyncadd.s32 $0xFFFFD800;
	(pc) =	sbr.rel @!p1 .LBB2_9-.Ltmp1, $4  }
0x3e: {  	[hbm:s16@s6], [sflag:s9] =	dma.strided [spmem:s20@s12], $0x50, s24, $0x10   }
0x3f: {  	_ =	swait.ge [sflag:s19], $0x50  }
0x40: {  	[sflag:s19] =	ssyncset.done $0x0  }
0x41: {  	[sflag:s19] =	ssyncadd.s32 $0xFFFFFFB0  }
.LBB2_1:
0x42: {  	s6 =	rddreg [dreg:$0x5]  }
0x43: {  	[spmem:s18], [sflag:s9] =	dma.local [hbm:s6], $0x2800  }
0x44: {  	_ =	swait.ge [sflag:s19], $0x2800  }
0x45: {  	[sflag:s19] =	ssyncset.done $0x0  }
0x46: {  	[sflag:s19] =	ssyncadd.s32 $0xFFFFD800  }
0x47: {  	[spmem:s20], [sflag:s9] =	dma.local [hbm:s7], $0x50  }
0x48: {  	_ =	swait.ge [sflag:s19], $0x50  }
0x49: {  	[sflag:s19] =	ssyncset.done $0x0  }
0x4a: {  	[sflag:s19] =	ssyncadd.s32 $0xFFFFFFB0  }
0x4b: {  	[tilespmem:s21], [sflag:$0x5] =	stream.linear.gather [hbm4b:s8+s4], $0x80, $0x38;
	[tilespmem:$0x1C500] =	vst v63  }
.Ltmp2:
0x4c: {  	_ =	swait.ge [sflag:s19], $0x80;
	(pc) =	sbr.rel @!p0 .LBB2_2-.Ltmp2, $3  }
0x4d: {  	[sflag:s19] =	ssyncset.done $0x0  }
0x4e: {  	[sflag:s19] =	ssyncadd.s32 $0xFFFFFF80  }
0x4f: {  	[bflag:$0x0] =	sbarrier.arrive $0xFFFF;
	_ =	sdelay $0x1  }
0x50: {  	s6 =	rddreg [dreg:$0x7]  }
0x51: {  	[tilespmem:s22], [sflag:$0x1] =	stream.linear.gather [hbm4b:s6+s4], $0x100, $0x38;
	[tilespmem:$0x1C500] =	vst v63  }
0x52: {  	s12 =	rddreg [dreg:$0x8]  }
0x53: {  	[tilespmem:s23], [sflag:$0x2] =	stream.linear.gather [hbm4b:s12+s4], $0x100, $0x38;
	[tilespmem:$0x1C500] =	vst v63  }
0x54: {  	_ =	swait.ge [sflag:s24], $0x100  }
0x55: {  	[sflag:s24] =	ssyncset.done $0x0  }
0x56: {  	[sflag:s24] =	ssyncadd.s32 $0xFFFFFF00  }
0x57: {  	[tilespmem:s26], [sflag:$0x3] =	stream.indirect.gather [hbm4b:s5+s25], $0x80, s22, s25, $0xb8;
	[tilespmem:$0x1C500] =	vst v63  }
0x58: {  	_ =	swait.ge [sflag:s28], $0x100  }
0x59: {  	[sflag:s28] =	ssyncset.done $0x0  }
0x5a: {  	[sflag:s28] =	ssyncadd.s32 $0xFFFFFF00  }
0x5b: {  	[tilespmem:s29], [sflag:$0x4] =	stream.indirect.gather [hbm4b:s5+s25], $0x80, s23, s25, $0xb8;
	[tilespmem:$0x1C500] =	vst v63  }
0x5c: {  	_ =	swait.ge [sflag:s30], $0x4000  }
0x5d: {  	[sflag:s30] =	ssyncset.done $0x0  }
0x5e: {  	[sflag:s30] =	ssyncadd.s32 $0xFFFFC000  }
0x5f: {  	[spmem:s1] =	stream.indirect.scatter.add.f32 [tilespmem:s26], [sflag:$0x5], $0x80, s31, s25, $0xb8;
	[tilespmem:$0x1C500] =	vst v63  }
0x60: {  	_ =	swait.ge [sflag:s19], $0x4000  }
0x61: {  	[sflag:s19] =	ssyncset.done $0x0  }
0x62: {  	[sflag:s19] =	ssyncadd.s32 $0xFFFFC000  }
0x63: {  	[spmem:s2] =	stream.indirect.scatter.add.f32 [tilespmem:s21], [sflag:$0x5], $0x1, s31, s25, $0xb8;
	[tilespmem:$0x1C500] =	vst v63  }
0x64: {  	_ =	swait.ge [sflag:s19], $0x80  }
0x65: {  	s13 =	sadd.s32 $0xFFFFFC00, s11;
	[sflag:s19] =	ssyncset.done $0x0  }
0x66: {  	s12 =	sadd.s32 $0xFC40, s13;
	[sflag:s19] =	ssyncadd.s32 $0xFFFFFF80  }
0x67: {  	[tilespmem:s22], [sflag:$0x1] =	stream.linear.gather [hbm4b:s12+s4], $0x100, $0x38;
	[tilespmem:$0x1C500] =	vst v63  }
0x68: {  	_ =	swait.ge [sflag:s0], $0x4000  }
0x69: {  	[sflag:s0] =	ssyncset.done $0x0  }
0x6a: {  	[sflag:s0] =	ssyncadd.s32 $0xFFFFC000  }
0x6b: {  	[spmem:s1] =	stream.indirect.scatter.add.f32 [tilespmem:s29], [sflag:$0x5], $0x80, s3, s25, $0xb8;
	[tilespmem:$0x1C500] =	vst v63  }
0x6c: {  	_ =	swait.ge [sflag:s19], $0x4000  }
0x6d: {  	[sflag:s19] =	ssyncset.done $0x0  }
0x6e: {  	[sflag:s19] =	ssyncadd.s32 $0xFFFFC000  }
0x6f: {  	[spmem:s2] =	stream.indirect.scatter.add.f32 [tilespmem:s21], [sflag:$0x5], $0x1, s3, s25, $0xb8;
	[tilespmem:$0x1C500] =	vst v63  }
0x70: {  	_ =	swait.ge [sflag:s19], $0x80  }
0x71: {  	[sflag:s19] =	ssyncset.done $0x0  }
0x72: {  	s13 =	sadd.s32 $0xFC60, s13;
	s12 =	simm.s32 $0xFFFFFC40;
	[sflag:s19] =	ssyncadd.s32 $0xFFFFFF80  }
.LBB2_6:
0x73: {  	[tilespmem:s23], [sflag:$0x2] =	stream.linear.gather [hbm4b:s13+s4], $0x100, $0x38;
	[tilespmem:$0x1C500] =	vst v63  }
0x74: {  	s6 =	smov.u32 s12  }
0x75: {  	p1 =	sne.s32 s12, $0xFFFFFFC0;
	s12 =	sadd.s32 $0x40, s12;
	_ =	swait.ge [sflag:s24], $0x100  }
0x76: {  	[sflag:s24] =	ssyncset.done $0x0  }
0x77: {  	[sflag:s24] =	ssyncadd.s32 $0xFFFFFF00  }
0x78: {  	[tilespmem:s26], [sflag:$0x3] =	stream.indirect.gather [hbm4b:s5+s25], $0x80, s22, s25, $0xb8;
	[tilespmem:$0x1C500] =	vst v63  }
0x79: {  	_ =	swait.ge [sflag:s28], $0x100  }
0x7a: {  	[sflag:s28] =	ssyncset.done $0x0  }
0x7b: {  	[sflag:s28] =	ssyncadd.s32 $0xFFFFFF00  }
0x7c: {  	[tilespmem:s29], [sflag:$0x4] =	stream.indirect.gather [hbm4b:s5+s25], $0x80, s23, s25, $0xb8;
	[tilespmem:$0x1C500] =	vst v63  }
0x7d: {  	_ =	swait.ge [sflag:s30], $0x4000  }
0x7e: {  	[sflag:s30] =	ssyncset.done $0x0  }
0x7f: {  	[sflag:s30] =	ssyncadd.s32 $0xFFFFC000  }
0x80: {  	[spmem:s1] =	stream.indirect.scatter.add.f32 [tilespmem:s26], [sflag:$0x5], $0x80, s31, s25, $0xb8;
	[tilespmem:$0x1C500] =	vst v63  }
0x81: {  	_ =	swait.ge [sflag:s19], $0x4000  }
0x82: {  	[sflag:s19] =	ssyncset.done $0x0  }
0x83: {  	[sflag:s19] =	ssyncadd.s32 $0xFFFFC000  }
0x84: {  	[spmem:s2] =	stream.indirect.scatter.add.f32 [tilespmem:s21], [sflag:$0x5], $0x1, s31, s25, $0xb8;
	[tilespmem:$0x1C500] =	vst v63  }
0x85: {  	_ =	swait.ge [sflag:s19], $0x80  }
0x86: {  	s6 =	sadd.s32 s6, s11;
	[sflag:s19] =	ssyncset.done $0x0  }
0x87: {  	s13 =	sadd.s32 $0xFC40, s6;
	[sflag:s19] =	ssyncadd.s32 $0xFFFFFF80  }
0x88: {  	[tilespmem:s22], [sflag:$0x1] =	stream.linear.gather [hbm4b:s13+s4], $0x100, $0x38;
	[tilespmem:$0x1C500] =	vst v63  }
0x89: {  	_ =	swait.ge [sflag:s0], $0x4000  }
0x8a: {  	[sflag:s0] =	ssyncset.done $0x0  }
0x8b: {  	[sflag:s0] =	ssyncadd.s32 $0xFFFFC000  }
0x8c: {  	[spmem:s1] =	stream.indirect.scatter.add.f32 [tilespmem:s29], [sflag:$0x5], $0x80, s3, s25, $0xb8;
	[tilespmem:$0x1C500] =	vst v63  }
0x8d: {  	_ =	swait.ge [sflag:s19], $0x4000  }
0x8e: {  	[sflag:s19] =	ssyncset.done $0x0  }
.Ltmp3:
0x8f: {  	[sflag:s19] =	ssyncadd.s32 $0xFFFFC000;
	(pc) =	sbr.rel @p1 .LBB2_6-.Ltmp3, $4  }
0x90: {  	[spmem:s2] =	stream.indirect.scatter.add.f32 [tilespmem:s21], [sflag:$0x5], $0x1, s3, s25, $0xb8;
	[tilespmem:$0x1C500] =	vst v63  }
0x91: {  	_ =	swait.ge [sflag:s19], $0x80  }
0x92: {  	[sflag:s19] =	ssyncset.done $0x0  }
0x93: {  	s13 =	sadd.s32 $0xFC60, s6;
	[sflag:s19] =	ssyncadd.s32 $0xFFFFFF80  }
.Ltmp4:
0x94: {  	_ = 	snop;
	(pc) =	sbr.rel .LBB2_7-.Ltmp4, $1  }
0x95: {  	_ =	sdelay $0x3  }
.LBB2_2:
0x96: {  	[tilespmem:s22], [sflag:$0x1] =	stream.linear.gather [hbm4b:s10+s4], $0x100, $0x38;
	[tilespmem:$0x1C500] =	vst v63  }
0x97: {  	s6 =	rddreg [dreg:$0x6]  }
0x98: {  	[tilespmem:s23], [sflag:$0x2] =	stream.linear.gather [hbm4b:s6+s4], $0x100, $0x38;
	[tilespmem:$0x1C500] =	vst v63  }
0x99: {  	_ =	swait.ge [sflag:s24], $0x100  }
0x9a: {  	[sflag:s24] =	ssyncset.done $0x0  }
0x9b: {  	[sflag:s24] =	ssyncadd.s32 $0xFFFFFF00  }
0x9c: {  	[tilespmem:s26], [sflag:$0x3] =	stream.indirect.gather [hbm4b:s5+s25], $0x80, s22, s25, $0xb8;
	[tilespmem:$0x1C500] =	vst v63  }
0x9d: {  	_ =	swait.ge [sflag:s28], $0x100  }
0x9e: {  	[sflag:s28] =	ssyncset.done $0x0  }
0x9f: {  	[sflag:s28] =	ssyncadd.s32 $0xFFFFFF00  }
0xa0: {  	[tilespmem:s29], [sflag:$0x4] =	stream.indirect.gather [hbm4b:s5+s25], $0x80, s23, s25, $0xb8;
	[tilespmem:$0x1C500] =	vst v63  }
0xa1: {  	_ =	swait.ge [sflag:s30], $0x4000  }
0xa2: {  	[sflag:s30] =	ssyncset.done $0x0  }
0xa3: {  	[sflag:s30] =	ssyncadd.s32 $0xFFFFC000  }
0xa4: {  	[spmem:s1] =	stream.indirect.scatter.add.f32 [tilespmem:s26], [sflag:$0x5], $0x80, s31, s25, $0xb8;
	[tilespmem:$0x1C500] =	vst v63  }
0xa5: {  	_ =	swait.ge [sflag:s19], $0x4000  }
0xa6: {  	[sflag:s19] =	ssyncset.done $0x0  }
0xa7: {  	[sflag:s19] =	ssyncadd.s32 $0xFFFFC000  }
0xa8: {  	[spmem:s2] =	stream.indirect.scatter.add.f32 [tilespmem:s21], [sflag:$0x5], $0x1, s31, s25, $0xb8;
	[tilespmem:$0x1C500] =	vst v63  }
0xa9: {  	_ =	swait.ge [sflag:s19], $0x80  }
0xaa: {  	s13 =	sadd.s32 $0xFFFFF0C0, s10;
	[sflag:s19] =	ssyncset.done $0x0  }
0xab: {  	s12 =	sadd.s32 $0xF80, s13;
	[sflag:s19] =	ssyncadd.s32 $0xFFFFFF80  }
0xac: {  	[tilespmem:s22], [sflag:$0x1] =	stream.linear.gather [hbm4b:s12+s4], $0x100, $0x38;
	[tilespmem:$0x1C500] =	vst v63  }
0xad: {  	_ =	swait.ge [sflag:s0], $0x4000  }
0xae: {  	[sflag:s0] =	ssyncset.done $0x0  }
0xaf: {  	[sflag:s0] =	ssyncadd.s32 $0xFFFFC000  }
0xb0: {  	[spmem:s1] =	stream.indirect.scatter.add.f32 [tilespmem:s29], [sflag:$0x5], $0x80, s3, s25, $0xb8;
	[tilespmem:$0x1C500] =	vst v63  }
0xb1: {  	_ =	swait.ge [sflag:s19], $0x4000  }
0xb2: {  	[sflag:s19] =	ssyncset.done $0x0  }
0xb3: {  	[sflag:s19] =	ssyncadd.s32 $0xFFFFC000  }
0xb4: {  	[spmem:s2] =	stream.indirect.scatter.add.f32 [tilespmem:s21], [sflag:$0x5], $0x1, s3, s25, $0xb8;
	[tilespmem:$0x1C500] =	vst v63  }
0xb5: {  	_ =	swait.ge [sflag:s19], $0x80  }
0xb6: {  	[sflag:s19] =	ssyncset.done $0x0  }
0xb7: {  	s13 =	sadd.s32 $0xFA0, s13;
	s12 =	simm.s32 $0xFFFFF100;
	[sflag:s19] =	ssyncadd.s32 $0xFFFFFF80  }
.LBB2_3:
0xb8: {  	[tilespmem:s23], [sflag:$0x2] =	stream.linear.gather [hbm4b:s13+s4], $0x100, $0x38;
	[tilespmem:$0x1C500] =	vst v63  }
0xb9: {  	s13 =	smov.u32 s12  }
0xba: {  	p1 =	seq.s32 s12, $0xFFFFFFC0;
	s12 =	sadd.s32 $0x40, s12;
	_ =	swait.ge [sflag:s24], $0x100  }
0xbb: {  	[sflag:s24] =	ssyncset.done $0x0  }
0xbc: {  	[sflag:s24] =	ssyncadd.s32 $0xFFFFFF00  }
0xbd: {  	[tilespmem:s26], [sflag:$0x3] =	stream.indirect.gather [hbm4b:s5+s25], $0x80, s22, s25, $0xb8;
	[tilespmem:$0x1C500] =	vst v63  }
0xbe: {  	_ =	swait.ge [sflag:s28], $0x100  }
0xbf: {  	[sflag:s28] =	ssyncset.done $0x0  }
0xc0: {  	[sflag:s28] =	ssyncadd.s32 $0xFFFFFF00  }
0xc1: {  	[tilespmem:s29], [sflag:$0x4] =	stream.indirect.gather [hbm4b:s5+s25], $0x80, s23, s25, $0xb8;
	[tilespmem:$0x1C500] =	vst v63  }
0xc2: {  	_ =	swait.ge [sflag:s30], $0x4000  }
0xc3: {  	[sflag:s30] =	ssyncset.done $0x0  }
0xc4: {  	[sflag:s30] =	ssyncadd.s32 $0xFFFFC000  }
0xc5: {  	[spmem:s1] =	stream.indirect.scatter.add.f32 [tilespmem:s26], [sflag:$0x5], $0x80, s31, s25, $0xb8;
	[tilespmem:$0x1C500] =	vst v63  }
0xc6: {  	_ =	swait.ge [sflag:s19], $0x4000  }
0xc7: {  	[sflag:s19] =	ssyncset.done $0x0  }
0xc8: {  	[sflag:s19] =	ssyncadd.s32 $0xFFFFC000  }
0xc9: {  	[spmem:s2] =	stream.indirect.scatter.add.f32 [tilespmem:s21], [sflag:$0x5], $0x1, s31, s25, $0xb8;
	[tilespmem:$0x1C500] =	vst v63  }
0xca: {  	_ =	swait.ge [sflag:s19], $0x80  }
0xcb: {  	s13 =	sadd.s32 s13, s10;
	[sflag:s19] =	ssyncset.done $0x0  }
0xcc: {  	s6 =	sadd.s32 $0xF80, s13;
	[sflag:s19] =	ssyncadd.s32 $0xFFFFFF80  }
0xcd: {  	[tilespmem:s22], [sflag:$0x1] =	stream.linear.gather [hbm4b:s6+s4], $0x100, $0x38;
	[tilespmem:$0x1C500] =	vst v63  }
0xce: {  	_ =	swait.ge [sflag:s0], $0x4000  }
0xcf: {  	[sflag:s0] =	ssyncset.done $0x0  }
0xd0: {  	[sflag:s0] =	ssyncadd.s32 $0xFFFFC000  }
0xd1: {  	[spmem:s1] =	stream.indirect.scatter.add.f32 [tilespmem:s29], [sflag:$0x5], $0x80, s3, s25, $0xb8;
	[tilespmem:$0x1C500] =	vst v63  }
0xd2: {  	_ =	swait.ge [sflag:s19], $0x4000  }
0xd3: {  	[sflag:s19] =	ssyncset.done $0x0  }
.Ltmp5:
0xd4: {  	[sflag:s19] =	ssyncadd.s32 $0xFFFFC000;
	(pc) =	sbr.rel @!p1 .LBB2_3-.Ltmp5, $4  }
0xd5: {  	[spmem:s2] =	stream.indirect.scatter.add.f32 [tilespmem:s21], [sflag:$0x5], $0x1, s3, s25, $0xb8;
	[tilespmem:$0x1C500] =	vst v63  }
0xd6: {  	_ =	swait.ge [sflag:s19], $0x80  }
0xd7: {  	[sflag:s19] =	ssyncset.done $0x0  }
0xd8: {  	s13 =	sadd.s32 $0xFA0, s13;
	[sflag:s19] =	ssyncadd.s32 $0xFFFFFF80  }
.Ltmp6:
0xd9: {  	(pc) =	sbr.rel .LBB2_8-.Ltmp6, $2  }
0xda: {  	_ =	sdelay $0x2  }
0xdb: {  	[tilespmem:s23], [sflag:$0x2] =	stream.linear.gather [hbm4b:s13+s4], $0x100, $0x38;
	[tilespmem:$0x1C500] =	vst v63  }
.LBB2_9:
0xdc: {  	_ =	sfence.sel $0x180000  }
0xdd: {  	[bflag:$0x0] =	sbarrier.arrive $0xFFFF  }
0xde: {  	_ =	strace $0x90000047  }
0xdf: {  	s0 =	stileid.u32;
	[bflag:$0x2] =	sbarrier.arrive $0xFFFF  }
0xe0: {  	p0 =	sne.s32 s0, $0x0;
	s0 =	rddreg [dreg:$0x4]  }
0xe1: {  	s0 =	sadd.s32 @!p0 $0x100000, s0  }
0xe2: {  	[sflag:s0] =	ssyncadd.tile.s32 @!p0 $0x1;
	_ =	shalt  }
.Lfunc_end2:
_tile_overlayer_lowered:
.L_overlay_start_2:
0xe3: {  	(tag) =	ssettag $0x2  }
0xe4: {  	s0 =	rddreg [dreg:$0x0];
	s2 =	stileid.u32  }
0xe5: {  	s1 =	rddreg [dreg:$0x1];
	p0 =	sne.s32 s2, $0x0  }
0xe6: {  	s3 =	rddreg [dreg:$0x2];
	[bflag:$0x3] =	sbarrier.arrive $0xFFFF;
	s2 =	simm.s32 @!p0 $0x1C05  }
0xe7: {  	[timem:s3], [sflag:s2] =	dma.local @!p0 [hbm:s0], s1  }
0xe8: {  	s0 =	simm.s32 @!p0 $0x5  }
0xe9: {  	_ =	swait.ge @!p0 [sflag:s0], s1  }
0xea: {  	s1 =	ssub.s32 @!p0 $0x0, s1;
	[sflag:s0] =	ssyncset.done @!p0 $0x0  }
0xeb: {  	[sflag:s0] =	ssyncadd.s32 @!p0 s1  }
0xec: {  	[bflag:$0x3] =	sbarrier.arrive $0xFFFF  }
0xed: {  	_ =	shalt  }

// kernel: kernel.9.cloned.1.call-start
scs
__scs_entry_jumppad:
0x0: {  	(pc) =	sbr.rel $0x88, $3  }
0x1: {  	(tag) =	ssettag $0x0;
	lr =	simm.s32 $0x1  }
0x2: {  	[smem:$0x3F9D] =	sst lr;
	_ =	strace $0xD0000000  }
0x3: {  	_ = 	snop  }
0x4: {  	_ = 	snop  }
0x5: {  	_ = 	snop  }
0x6: {  	_ = 	snop  }
0x7: {  	_ = 	snop  }
__scs_overlays_trampoline_lowered:
0x8: {  	[smem:$0x3FAC] =	sst s0  }
0x9: {  	[smem:$0x3FAD] =	sst s1  }
0xa: {  	[smem:$0x3FAE] =	sst s2  }
0xb: {  	[smem:$0x3FAF] =	sst s3  }
0xc: {  	[smem:$0x3FB0] =	sst s4  }
0xd: {  	[smem:$0x3FB1] =	sst s5  }
0xe: {  	[smem:$0x3FB2] =	sst s6  }
0xf: {  	[smem:$0x3FB3] =	sst s7  }
0x10: {  	[smem:$0x3FB4] =	sst s8  }
0x11: {  	[smem:$0x3FB5] =	sst s9;
	s0 =	simm.s32 @!p0 $0x0  }
0x12: {  	s1 =	sld [smem:$0x3F9B];
	s0 =	simm.s32 @p0 $0x1  }
0x13: {  	[smem:$0x3FB6] =	sst s0;
	s0 =	simm.s32 @!p1 $0x0  }
0x14: {  	s2 =	sld [smem:$0x3F9A];
	s0 =	simm.s32 @p1 $0x1  }
0x15: {  	[smem:$0x3FB7] =	sst s0;
	s0 =	simm.s32 @!p2 $0x0  }
0x16: {  	s3 =	sld [smem:$0x3FDB];
	s0 =	simm.s32 @p2 $0x1  }
0x17: {  	s4 =	simm.s32 $0x1BF5;
	[smem:$0x3FB9] =	sst s0  }
0x18: {  	s0 =	sld [smem:$0x3F9C];
	_ =	swait.ge [sflag:s4], $0x0  }
0x19: {  	s7 =	sld [smem:$0x3F9D]  }
0x1a: {  	s8 =	sadd.s32 $0xFFFFE003, lr  }
0x1b: {  	s9 =	sadd.s32 $0xFFFFFEF7, lr;
	s5 =	simm.s32 $0xFFFFFFFF;
	p2 =	slt.u32 s8, $0xFFFFF086  }
0x1c: {  	p1 =	slt.u32 s9, $0xF7A;
	s5 =	simm.s32 @!p2 $0x0  }
0x1d: {  	s5 =	simm.s32 @p1 $0x1;
	p0 =	seq.s32 s7, s2  }
0x1e: {  	s7 =	smul.u32 @!p0 $0xF7A, s2;
	p2 =	seq.s32 @!p0 s5, $0x0  }
0x1f: {  	s9 =	smul.u32 $0xF7A, s1;
	s8 =	simm.s32 @!p0 $0x1BF5;
	p2 =	por !p2, p0  }
0x20: {  	[sflag:s8] =	ssyncset.s32 @!p0 $0xFFFFF086;
	s6 =	sadd.s32 @!p0 s3, s7;
	s7 =	simm.s32 @!p0 $0x108  }
0x21: {  	s3 =	sadd.s32 s3, s9;
	s6 =	sadd.s32 @!p0 $0x88, s6;
	s7 =	simm.s32 @p2 $0x1082  }
0x22: {  	[simem:s7], [sflag:s8] =	dma.local @!p0 [hbm:s6], $0xF7A  }
0x23: {  	s9 =	sor.u32 $0xD0000000, s2;
	s6 =	simm.s32 $0x108;
	_ =	swait.ge @!p0 [sflag:s8], $0x0  }
0x24: {  	s3 =	sadd.s32 $0x88, s3;
	s6 =	simm.s32 @!p1 $0x1082;
	[sflag:s4] =	ssyncset.s32 $0xFFFFF086  }
0x25: {  	[simem:s6], [sflag:s4] =	dma.local [hbm:s3], $0xF7A  }
0x26: {  	[smem:$0x3F9D] =	sst s1;
	(tag) =	ssettag s2;
	_ =	strace s9  }
0x27: {  	s1 =	sld [smem:$0x3FAD]  }
0x28: {  	s2 =	sld [smem:$0x3FAE]  }
0x29: {  	s4 =	sld [smem:$0x3FB0]  }
0x2a: {  	p0 =	seq.s32 s5, $0x0;
	s5 =	sld [smem:$0x3FB1]  }
0x2b: {  	s6 =	sld [smem:$0x3FB2]  }
0x2c: {  	s7 =	sld [smem:$0x3FB3]  }
0x2d: {  	s3 =	simm.s32 $0x108;
	s8 =	sld [smem:$0x3FB4]  }
0x2e: {  	s3 =	simm.s32 @!p0 $0x1082;
	s9 =	sld [smem:$0x3FB5]  }
0x2f: {  	lr =	sadd.s32 s0, s3;
	s0 =	sld [smem:$0x3FAC]  }
0x30: {  	s3 =	sld [smem:$0x3FAF]  }
0x31: {  	[smem:$0x3FB8] =	sst s10  }
0x32: {  	s10 =	sld [smem:$0x3FB6];
	_ =	sdelay $0x3  }
0x33: {  	p0 =	seq.s32 s10, $0x1;
	s10 =	sld [smem:$0x3FB8];
	_ =	sdelay $0x3  }
0x34: {  	[smem:$0x3FB8] =	sst s10  }
0x35: {  	s10 =	sld [smem:$0x3FB7];
	_ =	sdelay $0x3  }
0x36: {  	p1 =	seq.s32 s10, $0x1;
	s10 =	sld [smem:$0x3FB8];
	_ =	sdelay $0x3  }
0x37: {  	[smem:$0x3FB8] =	sst s10  }
0x38: {  	s10 =	sld [smem:$0x3FB9]  }
0x39: {  	_ = 	snop;
	(pc) =	sbr.ind lr, $3  }
0x3a: {  	_ = 	snop  }
0x3b: {  	_ = 	snop  }
0x3c: {  	p2 =	seq.s32 s10, $0x1;
	s10 =	sld [smem:$0x3FB8]  }
0x3d: {  	_ =	shalt  }
0x3e: {  	_ =	shalt  }
0x3f: {  	_ =	shalt  }
0x40: {  	_ =	shalt  }
0x41: {  	_ =	shalt  }
0x42: {  	_ =	shalt  }
0x43: {  	_ =	shalt  }
0x44: {  	_ =	shalt  }
0x45: {  	_ =	shalt  }
0x46: {  	_ =	shalt  }
0x47: {  	_ =	shalt  }
0x48: {  	_ =	shalt  }
0x49: {  	_ =	shalt  }
0x4a: {  	_ =	shalt  }
0x4b: {  	_ =	shalt  }
0x4c: {  	_ =	shalt  }
0x4d: {  	_ =	shalt  }
0x4e: {  	_ =	shalt  }
0x4f: {  	_ =	shalt  }
0x50: {  	_ =	shalt  }
0x51: {  	_ =	shalt  }
0x52: {  	_ =	shalt  }
0x53: {  	_ =	shalt  }
0x54: {  	_ =	shalt  }
0x55: {  	_ =	shalt  }
0x56: {  	_ =	shalt  }
0x57: {  	_ =	shalt  }
0x58: {  	_ =	shalt  }
0x59: {  	_ =	shalt  }
0x5a: {  	_ =	shalt  }
0x5b: {  	_ =	shalt  }
0x5c: {  	_ =	shalt  }
0x5d: {  	_ =	shalt  }
0x5e: {  	_ =	shalt  }
0x5f: {  	_ =	shalt  }
0x60: {  	_ =	shalt  }
0x61: {  	_ =	shalt  }
0x62: {  	_ =	shalt  }
0x63: {  	_ =	shalt  }
0x64: {  	_ =	shalt  }
0x65: {  	_ =	shalt  }
0x66: {  	_ =	shalt  }
0x67: {  	_ =	shalt  }
0x68: {  	_ =	shalt  }
0x69: {  	_ =	shalt  }
0x6a: {  	_ =	shalt  }
0x6b: {  	_ =	shalt  }
0x6c: {  	_ =	shalt  }
0x6d: {  	_ =	shalt  }
0x6e: {  	_ =	shalt  }
0x6f: {  	_ =	shalt  }
0x70: {  	_ =	shalt  }
0x71: {  	_ =	shalt  }
0x72: {  	_ =	shalt  }
0x73: {  	_ =	shalt  }
0x74: {  	_ =	shalt  }
0x75: {  	_ =	shalt  }
0x76: {  	_ =	shalt  }
0x77: {  	_ =	shalt  }
0x78: {  	_ =	shalt  }
0x79: {  	_ =	shalt  }
0x7a: {  	_ =	shalt  }
0x7b: {  	_ =	shalt  }
0x7c: {  	_ =	shalt  }
0x7d: {  	_ =	shalt  }
0x7e: {  	_ =	shalt  }
0x7f: {  	_ =	shalt  }
0x80: {  	_ =	shalt  }
0x81: {  	_ =	shalt  }
0x82: {  	_ =	shalt  }
0x83: {  	_ =	shalt  }
0x84: {  	_ =	shalt  }
0x85: {  	_ =	shalt  }
0x86: {  	_ =	shalt  }
0x87: {  	_ =	shalt  }
.Lfunc_end0:
.L_simem_size_0:
called_computation.1_lowered:
.L_overlay_start_0:
0x88: {  	s2 =	sld [smem:$0x3FD9]  }
0x89: {  	s3 =	sld [smem:$0x3FFE];
	_ =	sdelay $0x1  }
0x8a: {  	s1 =	srdreg.scid  }
0x8b: {  	s0 =	sand.u32 $0x1, s1  }
0x8c: {  	s17 =	sshll.u32 s0, $0xA;
	s2 =	sadd.s32 s3, s2  }
0x8d: {  	s2 =	sadd.s32 s2, s17  }
0x8e: {  	[smem:$0x3FC4] =	sst s2  }
0x8f: {  	_ = 	snop  }
0x90: {  	s2 =	sld [smem:$0x3FD0];
	(tm) =	ssettm $0x1  }
0x91: {  	s18 =	sld [smem:$0x3FFB];
	_ =	sdelay $0x3  }
0x92: {  	_ =	strace s18  }
0x93: {  	s3 =	sld [smem:$0x3FFC];
	_ =	sdelay $0x3  }
0x94: {  	_ =	strace s3  }
0x95: {  	s3 =	sld [smem:$0x3FFD];
	_ =	sdelay $0x3  }
0x96: {  	_ =	strace s3  }
0x97: {  	_ =	strace $0x8FFFFFFF  }
0x98: {  	s19 =	sld [smem:$0x3FDB];
	_ =	sdelay $0x1  }
0x99: {  	s4 =	simm.s32 $_scs_section_size  }
0x9a: {  	s5 =	simm.s32 $_size__tile_overlayer_lowered;
	s6 =	simm.s32 $_tile_overlayer_lowered  }
0x9b: {  	s22 =	simm.s32 $0x1BFF;
	s21 =	sshll.u32 s6, $0x1;
	s3 =	sadd.s32 s4, s19  }
0x9c: {  	s7 =	simm.s32 $0x0;
	s20 =	sshll.u32 s5, $0x1;
	s5 =	sadd.s32 s21, s3  }
0x9d: {  	[timem:s7], [sflag:s22] =	dma.local [hbm:s5], s20  }
0x9e: {  	_ =	swait.ge [sflag:s22], s20  }
0x9f: {  	s4 =	ssub.s32 $0x0, s20;
	[sflag:s22] =	ssyncset.done $0x0  }
0xa0: {  	[sflag:s22] =	ssyncadd.s32 s4;
	_ =	sdelay $0x1  }
0xa1: {  	s23 =	simm.s32 $0x1B8B  }
0xa2: {  	_ =	swait.ge [sflag:s23], $0x1  }
0xa3: {  	[sflag:s23] =	ssyncset.done $0x0  }
0xa4: {  	s25 =	simm.s32 $0x1B8E;
	s24 =	sld [smem:$0x3FFE];
	[sflag:s23] =	ssyncadd.s32 $0xFFFFFFFF  }
0xa5: {  	s26 =	simm.s32 $execute0_lowered;
	[smem:$0x3FD2] =	sst s25  }
0xa6: {  	s5 =	sshll.u32 s26, $0x1;
	_ =	strace $0x80000049;
	[dreg:$0x1] =	wrdreg $0xFFFFFFFF  }
0xa7: {  	s28 =	simm.s32 $_size_execute0_lowered;
	s3 =	sadd.s32 s3, s5;
	[dreg:$0x0] =	wrdreg $0x0  }
0xa8: {  	s5 =	sshll.u32 s28, $0x1;
	[dreg:$0x2] =	wrdreg s3  }
0xa9: {  	[dreg:$0x3] =	wrdreg s5  }
0xaa: {  	[dreg:$0x4] =	wrdreg $0xC0  }
0xab: {  	_ =	task [dreg:s7], $0x5FFFF  }
0xac: {  	[dreg:$0x1] =	wrdreg $0xFFFFFFFF  }
0xad: {  	[dreg:$0x0] =	wrdreg $0x60  }
0xae: {  	[dreg:$0x2] =	wrdreg s24  }
0xaf: {  	[dreg:$0x3] =	wrdreg s2  }
0xb0: {  	[dreg:$0x4] =	wrdreg $0x0  }
0xb1: {  	[dreg:$0x5] =	wrdreg $0x9  }
0xb2: {  	_ =	task.clear_ibuf [dreg:s7], $0x6FFFF;
	_ =	strace $0x90000049  }
0xb3: {  	s29 =	simm.s32 $0x9;
	_ =	strace $0x8000004B  }
0xb4: {  	_ =	swait.ge [sflag:s29], $0x1  }
0xb5: {  	[sflag:s29] =	ssyncadd.s32 $0xFFFFFFFF  }
0xb6: {  	_ =	strace $0x9000004B  }
0xb7: {  	_ =	sfence  }
0xb8: {  	s30 =	sld [smem:$0x0];
	_ =	sdelay $0x2  }
0xb9: {  	s31 =	sshll.u32 s1, $0xD;
	s1 =	sshrl.u32 s1, $0x2  }
0xba: {  	s3 =	sand.u32 $0x4000, s31;
	s1 =	sadd.s32 s1, s30  }
0xbb: {  	s0 =	sor.u32 s3, s0;
	s1 =	sshll.u32 s1, $0x11  }
0xbc: {  	s0 =	sor.u32 s1, s0  }
0xbd: {  	s0 =	sadd.s32 $0x8F2B, s0  }
0xbe: {  	[sflag:s0] =	ssyncadd.remote.s32 $0x1  }
0xbf: {  	_ =	sfence.sel $0xFFFF  }
0xc0: {  	[dreg:$0x0] =	wrdreg $0xFFFFFFFF;
	(pc) =	sbr.abs _section_cstart, $3  }
0xc1: {  	[dreg:$0x1] =	wrdreg $0xFFFFFFFF  }
0xc2: {  	_ =	task.clear_ibuf [dreg:s7], $0x2FFFF;
	_ =	strace $0x9FFFFFFF  }
0xc3: {  	(tm) =	ssettm $0x7FFFFFFF  }
tec
execute0_lowered:
.L_overlay_start_1:
0x0: {  	(tag) =	ssettag $0x1  }
0x1: {  	s6 =	rddreg [dreg:$0x0]  }
0x2: {  	s10 =	rddreg [dreg:$0x1]  }
0x3: {  	s1 =	rddreg [dreg:$0x2]  }
0x4: {  	s2 =	srdreg.scid;
	s0 =	rddreg [dreg:$0x3]  }
0x5: {  	s3 =	simm.s32 $0x0;
	s16 =	simm.s32 $0x14000;
	s17 =	simm.s32 $0x14100  }
0x6: {  	s18 =	simm.s32 $0x1;
	s19 =	simm.s32 $0x80;
	s7 =	sand.u32 $0x1, s2  }
0x7: {  	s20 =	simm.s32 $0x14200;
	s2 =	stileid.u32;
	s8 =	smul.u32 $0x140000, s7  }
0x8: {  	s21 =	simm.s32 $0x2;
	s22 =	simm.s32 $0x18200;
	s9 =	smul.u32 $0x14000, s2  }
0x9: {  	s23 =	simm.s32 $0x3;
	s28 =	simm.s32 $0x0;
	s12 =	smul.u32 $0x50000, s2  }
0xa: {  	[smem:$0x7FF] =	sst s3;
	s4 =	sadd.s32 $0x2CE00, s6;
	s25 =	smul.u32 $0xF80, s2  }
0xb: {  	s5 =	sadd.s32 $0x2A600, s6;
	_ =	strace $0x8000004A;
	s30 =	smul.u32 $0x2200, s2  }
0xc: {  	s24 =	ssub.s32 $0x2, s7;
	s29 =	sshll.u32 s2, $0x6;
	s31 =	smul.u32 $0x440, s2  }
0xd: {  	p0 =	seq.s32 s7, $0x1;
	s11 =	sshrl.u32 s24, $0x1;
	s8 =	sadd.s32 s9, s8  }
0xe: {  	s14 =	ssub.s32 s24, s11;
	s26 =	sshrl.u32 s12, $0x2;
	s7 =	sadd.s32 s10, s25  }
0xf: {  	s11 =	sshrl.u32 s30, $0x3;
	s9 =	sadd.s32 s31, s10;
	s24 =	simm.s32 $0x14080  }
.Ltmp0:
0x10: {  	s25 =	simm.s32 $0x4;
	s8 =	sshrl.u32 s8, $0x3;
	(pc) =	sbr.rel .LBB2_1-.Ltmp0, $4  }
0x11: {  	s15 =	sadd.s32 s26, s1;
	s11 =	sadd.s32 s10, s11;
	s10 =	sadd.s32 $0xF800, s9  }
0x12: {  	s26 =	simm.s32 $0x14180;
	s13 =	sadd.s32 s8, s6;
	s6 =	sor.u32 $0x1C05, s29  }
0x13: {  	s8 =	sadd.s32 $0x20, s7;
	s11 =	sadd.s32 $0xF820, s11;
	s12 =	sadd.s32 $0x7D800, s13  }
0x14: {  	s13 =	smax.u32 s14, $0x1;
	s14 =	sshrl.u32 s15, $0x3;
	s15 =	simm.s32 $0x5  }
.LBB2_7:
0x15: {  	[tilespmem:s17], [sflag:$0x2] =	stream.linear.gather [hbm4b:s30+s3], $0x100, $0x38;
	[tilespmem:$0x1C200] =	vst v63  }
.LBB2_8:
0x16: {  	_ =	swait.ge [sflag:s18], $0x100  }
0x17: {  	[sflag:s18] =	ssyncset.done $0x0  }
0x18: {  	[sflag:s18] =	ssyncadd.s32 $0xFFFFFF00  }
0x19: {  	[tilespmem:s20], [sflag:$0x3] =	stream.indirect.gather [hbm4b:s4+s19], $0x80, s16, s19, $0xb8;
	[tilespmem:$0x1C200] =	vst v63  }
0x1a: {  	_ =	swait.ge [sflag:s21], $0x100  }
0x1b: {  	[sflag:s21] =	ssyncset.done $0x0  }
0x1c: {  	[sflag:s21] =	ssyncadd.s32 $0xFFFFFF00  }
0x1d: {  	[tilespmem:s22], [sflag:$0x4] =	stream.indirect.gather [hbm4b:s4+s19], $0x80, s17, s19, $0xb8;
	[tilespmem:$0x1C200] =	vst v63  }
0x1e: {  	_ =	swait.ge [sflag:s23], $0x4000  }
0x1f: {  	[sflag:s23] =	ssyncset.done $0x0  }
0x20: {  	[sflag:s23] =	ssyncadd.s32 $0xFFFFC000  }
0x21: {  	[spmem:s1] =	stream.indirect.scatter.add.f32 [tilespmem:s20], [sflag:$0x5], $0x80, s24, s19, $0xb8;
	[tilespmem:$0x1C200] =	vst v63  }
0x22: {  	_ =	swait.ge [sflag:s15], $0x4000  }
0x23: {  	[sflag:s15] =	ssyncset.done $0x0  }
0x24: {  	[sflag:s15] =	ssyncadd.s32 $0xFFFFC000  }
0x25: {  	_ =	swait.ge [sflag:s25], $0x4000  }
0x26: {  	[sflag:s25] =	ssyncset.done $0x0  }
0x27: {  	[sflag:s25] =	ssyncadd.s32 $0xFFFFC000  }
0x28: {  	[spmem:s1] =	stream.indirect.scatter.add.f32 [tilespmem:s22], [sflag:$0x5], $0x80, s26, s19, $0xb8;
	[tilespmem:$0x1C200] =	vst v63  }
0x29: {  	_ =	swait.ge [sflag:s15], $0x4000  }
0x2a: {  	s28 =	sadd.s32 $0x1, s28;
	[sflag:s15] =	ssyncset.done $0x0  }
0x2b: {  	p1 =	sne.s32 s28, s13;
	[sflag:s15] =	ssyncadd.s32 $0xFFFFC000  }
.Ltmp1:
0x2c: {  	[bflag:$0x0] =	sbarrier.arrive $0xFFFF;
	(pc) =	sbr.rel @!p1 .LBB2_9-.Ltmp1, $4  }
0x2d: {  	[hbm:s12], [sflag:s6] =	dma.local [spmem:s14], $0x2800  }
0x2e: {  	_ =	swait.ge [sflag:s15], $0x2800  }
0x2f: {  	[sflag:s15] =	ssyncset.done $0x0  }
0x30: {  	[sflag:s15] =	ssyncadd.s32 $0xFFFFD800  }
.LBB2_1:
0x31: {  	[spmem:s14], [sflag:s6] =	dma.local [hbm:s5], $0x2800  }
.Ltmp2:
0x32: {  	_ =	swait.ge [sflag:s15], $0x2800;
	(pc) =	sbr.rel @!p0 .LBB2_2-.Ltmp2, $3  }
0x33: {  	[sflag:s15] =	ssyncset.done $0x0  }
0x34: {  	[sflag:s15] =	ssyncadd.s32 $0xFFFFD800  }
0x35: {  	[bflag:$0x0] =	sbarrier.arrive $0xFFFF;
	_ =	sdelay $0x1  }
0x36: {  	[tilespmem:s16], [sflag:$0x1] =	stream.linear.gather [hbm4b:s10+s3], $0x100, $0x38;
	[tilespmem:$0x1C200] =	vst v63  }
0x37: {  	_ = 	snop  }
0x38: {  	[tilespmem:s17], [sflag:$0x2] =	stream.linear.gather [hbm4b:s11+s3], $0x100, $0x38;
	[tilespmem:$0x1C200] =	vst v63  }
0x39: {  	_ =	swait.ge [sflag:s18], $0x100  }
0x3a: {  	[sflag:s18] =	ssyncset.done $0x0  }
0x3b: {  	[sflag:s18] =	ssyncadd.s32 $0xFFFFFF00  }
0x3c: {  	[tilespmem:s20], [sflag:$0x3] =	stream.indirect.gather [hbm4b:s4+s19], $0x80, s16, s19, $0xb8;
	[tilespmem:$0x1C200] =	vst v63  }
0x3d: {  	_ =	swait.ge [sflag:s21], $0x100  }
0x3e: {  	[sflag:s21] =	ssyncset.done $0x0  }
0x3f: {  	[sflag:s21] =	ssyncadd.s32 $0xFFFFFF00  }
0x40: {  	[tilespmem:s22], [sflag:$0x4] =	stream.indirect.gather [hbm4b:s4+s19], $0x80, s17, s19, $0xb8;
	[tilespmem:$0x1C200] =	vst v63  }
0x41: {  	_ =	swait.ge [sflag:s23], $0x4000  }
0x42: {  	[sflag:s23] =	ssyncset.done $0x0  }
0x43: {  	[sflag:s23] =	ssyncadd.s32 $0xFFFFC000  }
0x44: {  	[spmem:s1] =	stream.indirect.scatter.add.f32 [tilespmem:s20], [sflag:$0x5], $0x80, s24, s19, $0xb8;
	[tilespmem:$0x1C200] =	vst v63  }
0x45: {  	_ =	swait.ge [sflag:s15], $0x4000  }
0x46: {  	s30 =	sadd.s32 $0xFFFFFC00, s9;
	[sflag:s15] =	ssyncset.done $0x0  }
0x47: {  	s29 =	sadd.s32 $0xFC40, s30;
	[sflag:s15] =	ssyncadd.s32 $0xFFFFC000  }
0x48: {  	[tilespmem:s16], [sflag:$0x1] =	stream.linear.gather [hbm4b:s29+s3], $0x100, $0x38;
	[tilespmem:$0x1C200] =	vst v63  }
0x49: {  	_ =	swait.ge [sflag:s25], $0x4000  }
0x4a: {  	[sflag:s25] =	ssyncset.done $0x0  }
0x4b: {  	[sflag:s25] =	ssyncadd.s32 $0xFFFFC000  }
0x4c: {  	[spmem:s1] =	stream.indirect.scatter.add.f32 [tilespmem:s22], [sflag:$0x5], $0x80, s26, s19, $0xb8;
	[tilespmem:$0x1C200] =	vst v63  }
0x4d: {  	_ =	swait.ge [sflag:s15], $0x4000  }
0x4e: {  	[sflag:s15] =	ssyncset.done $0x0  }
0x4f: {  	s30 =	sadd.s32 $0xFC60, s30;
	s29 =	simm.s32 $0xFFFFFC40;
	[sflag:s15] =	ssyncadd.s32 $0xFFFFC000  }
.LBB2_6:
0x50: {  	[tilespmem:s17], [sflag:$0x2] =	stream.linear.gather [hbm4b:s30+s3], $0x100, $0x38;
	[tilespmem:$0x1C200] =	vst v63  }
0x51: {  	s30 =	smov.u32 s29  }
0x52: {  	p1 =	sne.s32 s29, $0xFFFFFFC0;
	s29 =	sadd.s32 $0x40, s29;
	_ =	swait.ge [sflag:s18], $0x100  }
0x53: {  	[sflag:s18] =	ssyncset.done $0x0  }
0x54: {  	[sflag:s18] =	ssyncadd.s32 $0xFFFFFF00  }
0x55: {  	[tilespmem:s20], [sflag:$0x3] =	stream.indirect.gather [hbm4b:s4+s19], $0x80, s16, s19, $0xb8;
	[tilespmem:$0x1C200] =	vst v63  }
0x56: {  	_ =	swait.ge [sflag:s21], $0x100  }
0x57: {  	[sflag:s21] =	ssyncset.done $0x0  }
0x58: {  	[sflag:s21] =	ssyncadd.s32 $0xFFFFFF00  }
0x59: {  	[tilespmem:s22], [sflag:$0x4] =	stream.indirect.gather [hbm4b:s4+s19], $0x80, s17, s19, $0xb8;
	[tilespmem:$0x1C200] =	vst v63  }
0x5a: {  	_ =	swait.ge [sflag:s23], $0x4000  }
0x5b: {  	[sflag:s23] =	ssyncset.done $0x0  }
0x5c: {  	[sflag:s23] =	ssyncadd.s32 $0xFFFFC000  }
0x5d: {  	[spmem:s1] =	stream.indirect.scatter.add.f32 [tilespmem:s20], [sflag:$0x5], $0x80, s24, s19, $0xb8;
	[tilespmem:$0x1C200] =	vst v63  }
0x5e: {  	_ =	swait.ge [sflag:s15], $0x4000  }
0x5f: {  	s30 =	sadd.s32 s30, s9;
	[sflag:s15] =	ssyncset.done $0x0  }
0x60: {  	s31 =	sadd.s32 $0xFC40, s30;
	[sflag:s15] =	ssyncadd.s32 $0xFFFFC000  }
0x61: {  	[tilespmem:s16], [sflag:$0x1] =	stream.linear.gather [hbm4b:s31+s3], $0x100, $0x38;
	[tilespmem:$0x1C200] =	vst v63  }
0x62: {  	_ =	swait.ge [sflag:s25], $0x4000  }
0x63: {  	[sflag:s25] =	ssyncset.done $0x0  }
.Ltmp3:
0x64: {  	[sflag:s25] =	ssyncadd.s32 $0xFFFFC000;
	(pc) =	sbr.rel @p1 .LBB2_6-.Ltmp3, $4  }
0x65: {  	[spmem:s1] =	stream.indirect.scatter.add.f32 [tilespmem:s22], [sflag:$0x5], $0x80, s26, s19, $0xb8;
	[tilespmem:$0x1C200] =	vst v63  }
0x66: {  	_ =	swait.ge [sflag:s15], $0x4000  }
0x67: {  	[sflag:s15] =	ssyncset.done $0x0  }
0x68: {  	s30 =	sadd.s32 $0xFC60, s30;
	[sflag:s15] =	ssyncadd.s32 $0xFFFFC000  }
.Ltmp4:
0x69: {  	_ = 	snop;
	(pc) =	sbr.rel .LBB2_7-.Ltmp4, $1  }
0x6a: {  	_ =	sdelay $0x3  }
.LBB2_2:
0x6b: {  	[tilespmem:s16], [sflag:$0x1] =	stream.linear.gather [hbm4b:s7+s3], $0x100, $0x38;
	[tilespmem:$0x1C200] =	vst v63  }
0x6c: {  	_ = 	snop  }
0x6d: {  	[tilespmem:s17], [sflag:$0x2] =	stream.linear.gather [hbm4b:s8+s3], $0x100, $0x38;
	[tilespmem:$0x1C200] =	vst v63  }
0x6e: {  	_ =	swait.ge [sflag:s18], $0x100  }
0x6f: {  	[sflag:s18] =	ssyncset.done $0x0  }
0x70: {  	[sflag:s18] =	ssyncadd.s32 $0xFFFFFF00  }
0x71: {  	[tilespmem:s20], [sflag:$0x3] =	stream.indirect.gather [hbm4b:s4+s19], $0x80, s16, s19, $0xb8;
	[tilespmem:$0x1C200] =	vst v63  }
0x72: {  	_ =	swait.ge [sflag:s21], $0x100  }
0x73: {  	[sflag:s21] =	ssyncset.done $0x0  }
0x74: {  	[sflag:s21] =	ssyncadd.s32 $0xFFFFFF00  }
0x75: {  	[tilespmem:s22], [sflag:$0x4] =	stream.indirect.gather [hbm4b:s4+s19], $0x80, s17, s19, $0xb8;
	[tilespmem:$0x1C200] =	vst v63  }
0x76: {  	_ =	swait.ge [sflag:s23], $0x4000  }
0x77: {  	[sflag:s23] =	ssyncset.done $0x0  }
0x78: {  	[sflag:s23] =	ssyncadd.s32 $0xFFFFC000  }
0x79: {  	[spmem:s1] =	stream.indirect.scatter.add.f32 [tilespmem:s20], [sflag:$0x5], $0x80, s24, s19, $0xb8;
	[tilespmem:$0x1C200] =	vst v63  }
0x7a: {  	_ =	swait.ge [sflag:s15], $0x4000  }
0x7b: {  	s30 =	sadd.s32 $0xFFFFF0C0, s7;
	[sflag:s15] =	ssyncset.done $0x0  }
0x7c: {  	s29 =	sadd.s32 $0xF80, s30;
	[sflag:s15] =	ssyncadd.s32 $0xFFFFC000  }
0x7d: {  	[tilespmem:s16], [sflag:$0x1] =	stream.linear.gather [hbm4b:s29+s3], $0x100, $0x38;
	[tilespmem:$0x1C200] =	vst v63  }
0x7e: {  	_ =	swait.ge [sflag:s25], $0x4000  }
0x7f: {  	[sflag:s25] =	ssyncset.done $0x0  }
0x80: {  	[sflag:s25] =	ssyncadd.s32 $0xFFFFC000  }
0x81: {  	[spmem:s1] =	stream.indirect.scatter.add.f32 [tilespmem:s22], [sflag:$0x5], $0x80, s26, s19, $0xb8;
	[tilespmem:$0x1C200] =	vst v63  }
0x82: {  	_ =	swait.ge [sflag:s15], $0x4000  }
0x83: {  	[sflag:s15] =	ssyncset.done $0x0  }
0x84: {  	s30 =	sadd.s32 $0xFA0, s30;
	s29 =	simm.s32 $0xFFFFF100;
	[sflag:s15] =	ssyncadd.s32 $0xFFFFC000  }
.LBB2_3:
0x85: {  	[tilespmem:s17], [sflag:$0x2] =	stream.linear.gather [hbm4b:s30+s3], $0x100, $0x38;
	[tilespmem:$0x1C200] =	vst v63  }
0x86: {  	s30 =	smov.u32 s29  }
0x87: {  	p1 =	seq.s32 s29, $0xFFFFFFC0;
	s29 =	sadd.s32 $0x40, s29;
	_ =	swait.ge [sflag:s18], $0x100  }
0x88: {  	[sflag:s18] =	ssyncset.done $0x0  }
0x89: {  	[sflag:s18] =	ssyncadd.s32 $0xFFFFFF00  }
0x8a: {  	[tilespmem:s20], [sflag:$0x3] =	stream.indirect.gather [hbm4b:s4+s19], $0x80, s16, s19, $0xb8;
	[tilespmem:$0x1C200] =	vst v63  }
0x8b: {  	_ =	swait.ge [sflag:s21], $0x100  }
0x8c: {  	[sflag:s21] =	ssyncset.done $0x0  }
0x8d: {  	[sflag:s21] =	ssyncadd.s32 $0xFFFFFF00  }
0x8e: {  	[tilespmem:s22], [sflag:$0x4] =	stream.indirect.gather [hbm4b:s4+s19], $0x80, s17, s19, $0xb8;
	[tilespmem:$0x1C200] =	vst v63  }
0x8f: {  	_ =	swait.ge [sflag:s23], $0x4000  }
0x90: {  	[sflag:s23] =	ssyncset.done $0x0  }
0x91: {  	[sflag:s23] =	ssyncadd.s32 $0xFFFFC000  }
0x92: {  	[spmem:s1] =	stream.indirect.scatter.add.f32 [tilespmem:s20], [sflag:$0x5], $0x80, s24, s19, $0xb8;
	[tilespmem:$0x1C200] =	vst v63  }
0x93: {  	_ =	swait.ge [sflag:s15], $0x4000  }
0x94: {  	s30 =	sadd.s32 s30, s7;
	[sflag:s15] =	ssyncset.done $0x0  }
0x95: {  	s31 =	sadd.s32 $0xF80, s30;
	[sflag:s15] =	ssyncadd.s32 $0xFFFFC000  }
0x96: {  	[tilespmem:s16], [sflag:$0x1] =	stream.linear.gather [hbm4b:s31+s3], $0x100, $0x38;
	[tilespmem:$0x1C200] =	vst v63  }
0x97: {  	_ =	swait.ge [sflag:s25], $0x4000  }
0x98: {  	[sflag:s25] =	ssyncset.done $0x0  }
.Ltmp5:
0x99: {  	[sflag:s25] =	ssyncadd.s32 $0xFFFFC000;
	(pc) =	sbr.rel @!p1 .LBB2_3-.Ltmp5, $4  }
0x9a: {  	[spmem:s1] =	stream.indirect.scatter.add.f32 [tilespmem:s22], [sflag:$0x5], $0x80, s26, s19, $0xb8;
	[tilespmem:$0x1C200] =	vst v63  }
0x9b: {  	_ =	swait.ge [sflag:s15], $0x4000  }
0x9c: {  	[sflag:s15] =	ssyncset.done $0x0  }
0x9d: {  	s30 =	sadd.s32 $0xFA0, s30;
	[sflag:s15] =	ssyncadd.s32 $0xFFFFC000  }
.Ltmp6:
0x9e: {  	(pc) =	sbr.rel .LBB2_8-.Ltmp6, $2  }
0x9f: {  	_ =	sdelay $0x2  }
0xa0: {  	[tilespmem:s17], [sflag:$0x2] =	stream.linear.gather [hbm4b:s30+s3], $0x100, $0x38;
	[tilespmem:$0x1C200] =	vst v63  }
.LBB2_9:
0xa1: {  	_ =	sfence.sel $0x180000  }
0xa2: {  	[bflag:$0x0] =	sbarrier.arrive $0xFFFF  }
0xa3: {  	p0 =	sne.s32 s2, $0x0;
	_ =	strace $0x9000004A  }
0xa4: {  	s0 =	sadd.s32 @!p0 $0x100000, s0;
	[bflag:$0x2] =	sbarrier.arrive $0xFFFF  }
0xa5: {  	[sflag:s0] =	ssyncadd.tile.s32 @!p0 $0x1;
	_ =	shalt  }
.Lfunc_end2:
_tile_overlayer_lowered:
.L_overlay_start_2:
0xa6: {  	(tag) =	ssettag $0x2  }
0xa7: {  	s0 =	rddreg [dreg:$0x0];
	s2 =	stileid.u32  }
0xa8: {  	s1 =	rddreg [dreg:$0x1];
	p0 =	sne.s32 s2, $0x0  }
0xa9: {  	s3 =	rddreg [dreg:$0x2];
	[bflag:$0x3] =	sbarrier.arrive $0xFFFF;
	s2 =	simm.s32 @!p0 $0x1C05  }
0xaa: {  	[timem:s3], [sflag:s2] =	dma.local @!p0 [hbm:s0], s1  }
0xab: {  	s0 =	simm.s32 @!p0 $0x5  }
0xac: {  	_ =	swait.ge @!p0 [sflag:s0], s1  }
0xad: {  	s1 =	ssub.s32 @!p0 $0x0, s1;
	[sflag:s0] =	ssyncset.done @!p0 $0x0  }
0xae: {  	[sflag:s0] =	ssyncadd.s32 @!p0 s1  }
0xaf: {  	[bflag:$0x3] =	sbarrier.arrive $0xFFFF  }
0xb0: {  	_ =	shalt  }

</sc_bundles>
